<compile_context>
chip_gen: v7x
topology: tpu7x:2x2x1
jax: 0.10.2.dev20260603
libtpu: 0.0.44.dev20260713+nightly
codegen_flags: <defaults>
</compile_context>

<pallas_src>
import functools
import math

import jax
import jax.numpy as jnp
from jax import lax
from jax.experimental import pallas as pl
from jax.experimental.pallas import tpu as pltpu
from jax.experimental.pallas import tpu_sc as plsc

D_MODEL = 4096
N_HEADS = 32
N_KV_HEADS = 8
D_K = 128
BLOCK_SIZE = 16
SEQ_BLOCKS = 256
KV_W = N_KV_HEADS * D_K

G = 8
ROWS = 512


NSPLIT = 8


def _proj_kernel(x_ref, *refs, rope, rows):
    w_refs = refs[:NSPLIT]
    cos_ref, sin_ref, o_ref = refs[NSPLIT:]
    half = D_K // 2
    for i in range(NSPLIT):
        chunk = lax.dot_general(x_ref[...], w_refs[i][...],
                                (((1,), (1,)), ((), ())),
                                preferred_element_type=jnp.float32)
        if rope:
            parts = []
            for h in range(rows // D_K):
                seg = chunk[:, h * D_K:(h + 1) * D_K]
                parts.append(jnp.concatenate([-seg[:, half:], seg[:, :half]],
                                             axis=1))
            rot = jnp.concatenate(parts, axis=1)
            cs = jnp.tile(cos_ref[...], (1, rows // D_K))
            sn = jnp.tile(sin_ref[...], (1, rows // D_K))
            chunk = chunk * cs + rot * sn
        o_ref[i:i + 1, :] = chunk


def _run_proj(x, w, cos128, sin128, rope, rows):
    n_rows = w.shape[0]
    per_split = n_rows // NSPLIT
    nsteps = per_split // rows
    w_specs = [
        pl.BlockSpec((rows, D_MODEL),
                     lambda j, i=i, n=nsteps: (i * n + j, 0))
        for i in range(NSPLIT)
    ]
    out = pl.pallas_call(
        functools.partial(_proj_kernel, rope=rope, rows=rows),
        grid=(nsteps,),
        in_specs=[
            pl.BlockSpec((1, D_MODEL), lambda j: (0, 0)),
            *w_specs,
            pl.BlockSpec((1, D_K), lambda j: (0, 0)),
            pl.BlockSpec((1, D_K), lambda j: (0, 0)),
        ],
        out_specs=pl.BlockSpec((NSPLIT, rows), lambda j: (0, j)),
        out_shape=jax.ShapeDtypeStruct((NSPLIT, per_split), jnp.float32),
    )(x, *([w] * NSPLIT), cos128, sin128)
    return out.reshape(1, n_rows)


SC_CHUNK = 4


def _sc_gather_body(ids_ref, pk_ref, pv_ref, ok_ref, ov_ref,
                    idx_v, buf, sem):
    info = plsc.get_sparse_core_info()
    nc = info.num_cores
    wid = lax.axis_index("s") * nc + lax.axis_index("c")
    base_chunk = wid * 2
    for c in range(2):
        chunk = base_chunk + c
        pltpu.sync_copy(ids_ref.at[chunk], idx_v)
        pltpu.async_copy(pk_ref.at[idx_v], buf, sem).wait()
        pltpu.sync_copy(buf, ok_ref.at[pl.ds(chunk * SC_CHUNK, SC_CHUNK)])
        pltpu.async_copy(pv_ref.at[idx_v], buf, sem).wait()
        pltpu.sync_copy(buf, ov_ref.at[pl.ds(chunk * SC_CHUNK, SC_CHUNK)])


def _run_sc_gather(block_ids, pool_k, pool_v):
    ids2d = block_ids.astype(jnp.int32).reshape(SEQ_BLOCKS // SC_CHUNK,
                                                SC_CHUNK)
    mesh = plsc.VectorSubcoreMesh(core_axis_name="c", subcore_axis_name="s")
    out_sds = jax.ShapeDtypeStruct(
        (SEQ_BLOCKS, BLOCK_SIZE, N_KV_HEADS, D_K), jnp.float32)
    f = pl.kernel(
        _sc_gather_body,
        out_type=(out_sds, out_sds),
        mesh=mesh,
        scratch_types=[
            pltpu.VMEM((SC_CHUNK,), jnp.int32),
            pltpu.VMEM((SC_CHUNK, BLOCK_SIZE, N_KV_HEADS, D_K), jnp.float32),
            pltpu.SemaphoreType.DMA,
        ],
    )
    return f(ids2d, pool_k, pool_v)


def _attn_kernel(ids_ref, misc_ref, dup_ref, q_ref, kn_ref, vn_ref,
                 *kv_refs):
    k_refs = kv_refs[:G]
    v_refs = kv_refs[G:2 * G]
    o_out = kv_refs[2 * G]
    m_ref, l_ref, acc_ref = kv_refs[2 * G + 1:]

    i = pl.program_id(0)
    nsteps = pl.num_programs(0)
    tp = misc_ref[0]
    scale = 1.0 / math.sqrt(D_K)

    @pl.when(i == 0)
    def _():
        m_ref[...] = jnp.full((N_HEADS, D_K), -1e30, jnp.float32)
        l_ref[...] = jnp.zeros((N_HEADS, D_K), jnp.float32)
        acc_ref[...] = jnp.zeros((N_HEADS, D_K), jnp.float32)

    kn = kn_ref[...]
    vn = vn_ref[...]

    rowpos = lax.broadcasted_iota(jnp.int32, (BLOCK_SIZE, N_KV_HEADS, D_K), 0)
    k_rows, v_rows = [], []
    for g in range(G):
        d = dup_ref[i * G + g]
        mask = jnp.logical_and(rowpos == tp, d == 1)
        k_rows.append(jnp.where(mask, kn[None], k_refs[g][0]))
        v_rows.append(jnp.where(mask, vn[None], v_refs[g][0]))
    kcat = jnp.concatenate(k_rows, axis=0)
    vcat = jnp.concatenate(v_rows, axis=0)

    grp = N_HEADS // N_KV_HEADS
    s_parts = []
    for kh in range(N_KV_HEADS):
        k_h = kcat[:, kh, :]
        q_g = q_ref[kh * grp:(kh + 1) * grp, :]
        s_parts.append(lax.dot_general(q_g, k_h, (((1,), (1,)), ((), ())),
                                       preferred_element_type=jnp.float32))
    S = jnp.concatenate(s_parts, axis=0) * scale

    m_prev = m_ref[:, 0:1]
    l_prev = l_ref[:, 0:1]
    m_cur = jnp.max(S, axis=1, keepdims=True)
    m_new = jnp.maximum(m_prev, m_cur)
    alpha = jnp.exp(m_prev - m_new)
    P = jnp.exp(S - m_new)
    l_new = alpha * l_prev + jnp.sum(P, axis=1, keepdims=True)

    pv_parts = []
    for kh in range(N_KV_HEADS):
        p_g = P[kh * grp:(kh + 1) * grp, :]
        v_h = vcat[:, kh, :]
        pv_parts.append(lax.dot_general(p_g, v_h, (((1,), (0,)), ((), ())),
                                        preferred_element_type=jnp.float32))
    PV = jnp.concatenate(pv_parts, axis=0)
    acc_new = alpha * acc_ref[...] + PV

    m_ref[...] = jnp.broadcast_to(m_new, (N_HEADS, D_K))
    l_ref[...] = jnp.broadcast_to(l_new, (N_HEADS, D_K))
    acc_ref[...] = acc_new

    @pl.when(i == nsteps - 1)
    def _():
        o_out[...] = acc_new / l_new


def _run_attention(q, k_new, v_new, pool_k2, pool_v2, ids, token_pos, dup):
    misc = jnp.reshape(token_pos.astype(jnp.int32), (1,))
    kv_specs = []
    for g in range(G):
        kv_specs.append(pl.BlockSpec(
            (1, BLOCK_SIZE, N_KV_HEADS, D_K),
            lambda i, ids, misc, dup, g=g: (ids[i * G + g], 0, 0, 0)))
    kv_specs = kv_specs + list(kv_specs)
    grid_spec = pltpu.PrefetchScalarGridSpec(
        num_scalar_prefetch=3,
        grid=(SEQ_BLOCKS // G,),
        in_specs=[
            pl.BlockSpec((N_HEADS, D_K), lambda i, *_: (0, 0)),
            pl.BlockSpec((N_KV_HEADS, D_K), lambda i, *_: (0, 0)),
            pl.BlockSpec((N_KV_HEADS, D_K), lambda i, *_: (0, 0)),
            *kv_specs,
        ],
        out_specs=pl.BlockSpec((N_HEADS, D_K), lambda i, *_: (0, 0)),
        scratch_shapes=[pltpu.VMEM((N_HEADS, D_K), jnp.float32)] * 3,
    )
    return pl.pallas_call(
        _attn_kernel,
        grid_spec=grid_spec,
        out_shape=jax.ShapeDtypeStruct((N_HEADS, D_K), jnp.float32),
    )(ids, misc, dup,
      q, k_new, v_new,
      *([pool_k2] * G), *([pool_v2] * G))


def kernel(hidden_states, wq, wk, wv, wo, pool_k, pool_v, block_ids, position):
    x = hidden_states.reshape(1, D_MODEL)
    pos = jnp.asarray(position, jnp.int32)

    half = D_K // 2
    inv_freq = 1.0 / (10000.0 ** (jnp.arange(half, dtype=jnp.float32) * 2.0 / D_K))
    ang = pos.astype(jnp.float32) * inv_freq
    cos128 = jnp.concatenate([jnp.cos(ang), jnp.cos(ang)]).reshape(1, D_K)
    sin128 = jnp.concatenate([jnp.sin(ang), jnp.sin(ang)]).reshape(1, D_K)

    gath_k, gath_v = _run_sc_gather(block_ids, pool_k, pool_v)

    q = _run_proj(x, wq, cos128, sin128, rope=True, rows=128)
    k_new = _run_proj(x, wk, cos128, sin128, rope=True, rows=128)
    v_new = _run_proj(x, wv, cos128, sin128, rope=False, rows=128)

    block_idx = pos // BLOCK_SIZE
    token_pos = pos % BLOCK_SIZE
    cur_id = jnp.take(block_ids, block_idx)
    dup = (block_ids == cur_id).astype(jnp.int32)

    ids_ident = jnp.arange(SEQ_BLOCKS, dtype=jnp.int32)
    attn = _run_attention(q.reshape(N_HEADS, D_K),
                          k_new.reshape(N_KV_HEADS, D_K),
                          v_new.reshape(N_KV_HEADS, D_K),
                          gath_k, gath_v, ids_ident,
                          token_pos, dup)

    attn_flat = attn.reshape(1, D_MODEL)
    out = _run_proj(attn_flat, wo, cos128, sin128, rope=False, rows=128)
    return out.reshape(1, 1, D_MODEL)

# --- scband reference (transcript-rebuilt; emitter-appended) ---
"""Pipeline reference for scband-paged-attention-layer-59158879535571 (READ-ONLY COPY).

The authoritative reference and input builder live on the scoring server;
editing this copy changes nothing except your own understanding.
"""

import jax, jax.numpy as jnp
import numpy as np

D_MODEL = 4096
N_HEADS = 32
N_KV_HEADS = 8
D_K = 128
BLOCK_SIZE = 16
POOL_BLOCKS = 2048
SEQ_BLOCKS = 256
POSITION = 4095
THETA = 10000.0


def _rope(x, pos):
    # x: (1, H, 1, D_K); llama-style rotate-half RoPE at a single position
    half = D_K // 2
    inv_freq = 1.0 / (THETA ** (jnp.arange(half, dtype=jnp.float32) * 2.0 / D_K))
    ang = pos * inv_freq
    cos = jnp.concatenate([jnp.cos(ang), jnp.cos(ang)])
    sin = jnp.concatenate([jnp.sin(ang), jnp.sin(ang)])
    x1 = x[..., :half]
    x2 = x[..., half:]
    rot = jnp.concatenate([-x2, x1], axis=-1)
    return x * cos + rot * sin


def setup_inputs(seed: int = 0) -> dict:
    key = jax.random.key(seed)
    ks = jax.random.split(key, 8)
    hidden_states = jax.random.normal(ks[0], (1, 1, D_MODEL), dtype=jnp.float32)
    wq = jax.random.normal(ks[1], (N_HEADS * D_K, D_MODEL), dtype=jnp.float32) * 0.02
    wk = jax.random.normal(ks[2], (N_KV_HEADS * D_K, D_MODEL), dtype=jnp.float32) * 0.02
    wv = jax.random.normal(ks[3], (N_KV_HEADS * D_K, D_MODEL), dtype=jnp.float32) * 0.02
    wo = jax.random.normal(ks[4], (D_MODEL, N_HEADS * D_K), dtype=jnp.float32) * 0.02
    pool_k = jax.random.normal(ks[5], (POOL_BLOCKS, BLOCK_SIZE, N_KV_HEADS, D_K), dtype=jnp.float32) * 0.05
    pool_v = jax.random.normal(ks[6], (POOL_BLOCKS, BLOCK_SIZE, N_KV_HEADS, D_K), dtype=jnp.float32) * 0.05
    block_ids = jax.random.randint(ks[7], (SEQ_BLOCKS,), 0, POOL_BLOCKS, dtype=jnp.int32)
    return {
        'hidden_states': hidden_states,
        'wq': wq,
        'wk': wk,
        'wv': wv,
        'wo': wo,
        'pool_k': pool_k,
        'pool_v': pool_v,
        'block_ids': block_ids,
        'position': POSITION,
    }


def reference(hidden_states, wq, wk, wv, wo, pool_k, pool_v, block_ids, position):
    # 1) QKV projection for the single new token
    q = (hidden_states @ wq.T).reshape(1, 1, N_HEADS, D_K).transpose(0, 2, 1, 3)
    k_new = (hidden_states @ wk.T).reshape(1, 1, N_KV_HEADS, D_K).transpose(0, 2, 1, 3)
    v_new = (hidden_states @ wv.T).reshape(1, 1, N_KV_HEADS, D_K).transpose(0, 2, 1, 3)
    # 2) RoPE at current position
    q = _rope(q, position)
    k_new = _rope(k_new, position)
    # 3) Scatter-write new K/V into paged memory pool (scatter-overwrite)
    block_idx = position // BLOCK_SIZE
    token_pos = position % BLOCK_SIZE
    pool_k = pool_k.at[block_ids[block_idx], token_pos].set(k_new[0, :, 0, :])
    pool_v = pool_v.at[block_ids[block_idx], token_pos].set(v_new[0, :, 0, :])
    # 4) Gather KV history blocks for this sequence
    k_full = jnp.take(pool_k, block_ids, axis=0).reshape(SEQ_BLOCKS * BLOCK_SIZE, N_KV_HEADS, D_K)[: POSITION + 1]
    v_full = jnp.take(pool_v, block_ids, axis=0).reshape(SEQ_BLOCKS * BLOCK_SIZE, N_KV_HEADS, D_K)[: POSITION + 1]
    # 5) GQA head replication via index gather
    gqa_index = jnp.repeat(jnp.arange(N_KV_HEADS), N_HEADS // N_KV_HEADS)
    k_full = k_full[None].transpose(0, 2, 1, 3)[:, gqa_index, :, :]
    v_full = v_full[None].transpose(0, 2, 1, 3)[:, gqa_index, :, :]
    # 6) Attention
    scores = jnp.matmul(q, k_full.transpose(0, 1, 3, 2)) / np.sqrt(D_K)
    attn = jax.nn.softmax(scores, axis=-1)
    out = jnp.matmul(attn, v_full)
    # 7) Output projection
    out = out.transpose(0, 2, 1, 3).reshape(1, 1, N_HEADS * D_K)
    out = out @ wo.T
    return out

if __name__ == "__main__":
    import jax
    _d = setup_inputs()
    print(jax.jit(kernel)(*tuple(_d.values())))

</pallas_src>

<mosaic_0001>
#map = affine_map<(d0, d1) -> (0, 0)>
#map1 = affine_map<(d0, d1) -> (0, 0, 0, 0)>
module attributes {stable_mosaic.version = 14 : i64} {
  func.func @_sc_gather_body(%arg0: i32, %arg1: i32, %arg2: memref<64x4xi32, #tpu.memory_space<hbm>>, %arg3: memref<2048x16x8x128xf32, #tpu.memory_space<hbm>>, %arg4: memref<2048x16x8x128xf32, #tpu.memory_space<hbm>>, %arg5: memref<256x16x8x128xf32, #tpu.memory_space<hbm>>, %arg6: memref<256x16x8x128xf32, #tpu.memory_space<hbm>>, %arg7: memref<4xi32, #tpu.memory_space<vmem>>, %arg8: memref<4x16x8x128xf32, #tpu.memory_space<vmem>>, %arg9: memref<!tpu.dma_semaphore, #tpu.memory_space<semaphore_mem>>) attributes {dimension_semantics = [#tpu.dimension_semantics<core_parallel>, #tpu.dimension_semantics<subcore_parallel>], iteration_bounds = array<i64: 2, 16>, scalar_prefetch = 0 : i64, scratch_operands = 3 : i64, tpu.core_type = #tpu.core_type<sc_vector_subcore>, window_params = [{transform_indices = #map}, {transform_indices = #map1}, {transform_indices = #map1}, {transform_indices = #map1}, {transform_indices = #map1}]} {
    %mul3A = arith.constant 2 : i32
    %mul3A_0 = arith.muli %arg1, %mul3A : i32
    %add3A = arith.addi %mul3A_0, %arg0 : i32
    %mul3A_1 = arith.constant 2 : i32
    %mul3A_2 = arith.muli %add3A, %mul3A_1 : i32
    %add3A_3 = arith.constant 0 : i32
    %add3A_4 = arith.addi %mul3A_2, %add3A_3 : i32
    "tpu.region"() ({
      %run_scoped3A = tpu.sem_alloc : memref<!tpu.dma_semaphore, #tpu.memory_space<semaphore_mem>>
      %dma_start3A_53 = arith.constant 0 : i32
      %dma_start3A_54 = tpu.memref_slice %arg2[%add3A_4, %dma_start3A_53] : memref<64x4xi32, #tpu.memory_space<hbm>> -> memref<1x4xi32, #tpu.memory_space<hbm>>
      %dma_start3A_55 = tpu.memref_squeeze %dma_start3A_54 : memref<1x4xi32, #tpu.memory_space<hbm>> -> memref<4xi32, #tpu.memory_space<hbm>>
      %dma_start3A_56 = arith.constant 0 : i32
      %dma_start3A_57 = tpu.memref_slice %arg2[%add3A_4, %dma_start3A_56] : memref<64x4xi32, #tpu.memory_space<hbm>> -> memref<1x4xi32, #tpu.memory_space<hbm>>
      %dma_start3A_58 = tpu.memref_squeeze %dma_start3A_57 : memref<1x4xi32, #tpu.memory_space<hbm>> -> memref<4xi32, #tpu.memory_space<hbm>>
      tpu.enqueue_dma source(%dma_start3A_58 : memref<4xi32, #tpu.memory_space<hbm>>) target(%arg7 : memref<4xi32, #tpu.memory_space<vmem>>) target_semaphore(%run_scoped3A : memref<!tpu.dma_semaphore, #tpu.memory_space<semaphore_mem>>)
      %dma_wait3A_59 = arith.constant 0 : i32
      %dma_wait3A_60 = tpu.memref_slice %arg2[%add3A_4, %dma_wait3A_59] : memref<64x4xi32, #tpu.memory_space<hbm>> -> memref<1x4xi32, #tpu.memory_space<hbm>>
      %dma_wait3A_61 = tpu.memref_squeeze %dma_wait3A_60 : memref<1x4xi32, #tpu.memory_space<hbm>> -> memref<4xi32, #tpu.memory_space<hbm>>
      %dma_wait3A_62 = arith.constant 0 : i32
      %dma_wait3A_63 = tpu.memref_slice %arg2[%add3A_4, %dma_wait3A_62] : memref<64x4xi32, #tpu.memory_space<hbm>> -> memref<1x4xi32, #tpu.memory_space<hbm>>
      %dma_wait3A_64 = tpu.memref_squeeze %dma_wait3A_63 : memref<1x4xi32, #tpu.memory_space<hbm>> -> memref<4xi32, #tpu.memory_space<hbm>>
      tpu.wait_dma2 semaphore(%run_scoped3A : memref<!tpu.dma_semaphore, #tpu.memory_space<semaphore_mem>>) src(%dma_wait3A_64 : memref<4xi32, #tpu.memory_space<hbm>>) dst(%arg7 : memref<4xi32, #tpu.memory_space<vmem>>)
      tpu.yield
    }) : () -> ()
    %dma_start3A = arith.constant 0 : i32
    %dma_start3A_5 = arith.constant 0 : i32
    %dma_start3A_6 = arith.constant 0 : i32
    %dma_start3A_7 = arith.constant 0 : i32
    %dma_start3A_8 = tpu.memref_slice %arg3[%dma_start3A, %dma_start3A_5, %dma_start3A_6, %dma_start3A_7] : memref<2048x16x8x128xf32, #tpu.memory_space<hbm>> -> memref<2048x16x8x128xf32, #tpu.memory_space<hbm>>
    tpu.enqueue_indirect_dma source(%dma_start3A_8 : memref<2048x16x8x128xf32, #tpu.memory_space<hbm>>) target(%arg8 : memref<4x16x8x128xf32, #tpu.memory_space<vmem>>) offsets(%arg7 : memref<4xi32, #tpu.memory_space<vmem>>) semaphore(%arg9 : memref<!tpu.dma_semaphore, #tpu.memory_space<semaphore_mem>>)
    %dma_wait3A = arith.constant 0 : i32
    %dma_wait3A_9 = arith.constant 0 : i32
    %dma_wait3A_10 = arith.constant 0 : i32
    %dma_wait3A_11 = arith.constant 0 : i32
    %dma_wait3A_12 = tpu.memref_slice %arg3[%dma_wait3A, %dma_wait3A_9, %dma_wait3A_10, %dma_wait3A_11] : memref<2048x16x8x128xf32, #tpu.memory_space<hbm>> -> memref<2048x16x8x128xf32, #tpu.memory_space<hbm>>
    tpu.wait_indirect_dma semaphore(%arg9 : memref<!tpu.dma_semaphore, #tpu.memory_space<semaphore_mem>>) src(%dma_wait3A_12 : memref<2048x16x8x128xf32, #tpu.memory_space<hbm>>) dst(%arg8 : memref<4x16x8x128xf32, #tpu.memory_space<vmem>>)
    %mul3A_13 = arith.constant 4 : i32
    %mul3A_14 = arith.muli %add3A_4, %mul3A_13 : i32
    "tpu.region"() ({
      %run_scoped3A = tpu.sem_alloc : memref<!tpu.dma_semaphore, #tpu.memory_space<semaphore_mem>>
      %dma_start3A_53 = arith.constant 0 : i32
      %dma_start3A_54 = arith.constant 0 : i32
      %dma_start3A_55 = arith.constant 0 : i32
      %dma_start3A_56 = tpu.memref_slice %arg5[%mul3A_14, %dma_start3A_53, %dma_start3A_54, %dma_start3A_55] : memref<256x16x8x128xf32, #tpu.memory_space<hbm>> -> memref<4x16x8x128xf32, #tpu.memory_space<hbm>>
      %dma_start3A_57 = arith.constant 0 : i32
      %dma_start3A_58 = arith.constant 0 : i32
      %dma_start3A_59 = arith.constant 0 : i32
      %dma_start3A_60 = tpu.memref_slice %arg5[%mul3A_14, %dma_start3A_57, %dma_start3A_58, %dma_start3A_59] : memref<256x16x8x128xf32, #tpu.memory_space<hbm>> -> memref<4x16x8x128xf32, #tpu.memory_space<hbm>>
      tpu.enqueue_dma source(%arg8 : memref<4x16x8x128xf32, #tpu.memory_space<vmem>>) target(%dma_start3A_60 : memref<4x16x8x128xf32, #tpu.memory_space<hbm>>) target_semaphore(%run_scoped3A : memref<!tpu.dma_semaphore, #tpu.memory_space<semaphore_mem>>)
      %dma_wait3A_61 = arith.constant 0 : i32
      %dma_wait3A_62 = arith.constant 0 : i32
      %dma_wait3A_63 = arith.constant 0 : i32
      %dma_wait3A_64 = tpu.memref_slice %arg5[%mul3A_14, %dma_wait3A_61, %dma_wait3A_62, %dma_wait3A_63] : memref<256x16x8x128xf32, #tpu.memory_space<hbm>> -> memref<4x16x8x128xf32, #tpu.memory_space<hbm>>
      %dma_wait3A_65 = arith.constant 0 : i32
      %dma_wait3A_66 = arith.constant 0 : i32
      %dma_wait3A_67 = arith.constant 0 : i32
      %dma_wait3A_68 = tpu.memref_slice %arg5[%mul3A_14, %dma_wait3A_65, %dma_wait3A_66, %dma_wait3A_67] : memref<256x16x8x128xf32, #tpu.memory_space<hbm>> -> memref<4x16x8x128xf32, #tpu.memory_space<hbm>>
      tpu.wait_dma2 semaphore(%run_scoped3A : memref<!tpu.dma_semaphore, #tpu.memory_space<semaphore_mem>>) src(%arg8 : memref<4x16x8x128xf32, #tpu.memory_space<vmem>>) dst(%dma_wait3A_68 : memref<4x16x8x128xf32, #tpu.memory_space<hbm>>)
      tpu.yield
    }) : () -> ()
    %dma_start3A_15 = arith.constant 0 : i32
    %dma_start3A_16 = arith.constant 0 : i32
    %dma_start3A_17 = arith.constant 0 : i32
    %dma_start3A_18 = arith.constant 0 : i32
    %dma_start3A_19 = tpu.memref_slice %arg4[%dma_start3A_15, %dma_start3A_16, %dma_start3A_17, %dma_start3A_18] : memref<2048x16x8x128xf32, #tpu.memory_space<hbm>> -> memref<2048x16x8x128xf32, #tpu.memory_space<hbm>>
    tpu.enqueue_indirect_dma source(%dma_start3A_19 : memref<2048x16x8x128xf32, #tpu.memory_space<hbm>>) target(%arg8 : memref<4x16x8x128xf32, #tpu.memory_space<vmem>>) offsets(%arg7 : memref<4xi32, #tpu.memory_space<vmem>>) semaphore(%arg9 : memref<!tpu.dma_semaphore, #tpu.memory_space<semaphore_mem>>)
    %dma_wait3A_20 = arith.constant 0 : i32
    %dma_wait3A_21 = arith.constant 0 : i32
    %dma_wait3A_22 = arith.constant 0 : i32
    %dma_wait3A_23 = arith.constant 0 : i32
    %dma_wait3A_24 = tpu.memref_slice %arg4[%dma_wait3A_20, %dma_wait3A_21, %dma_wait3A_22, %dma_wait3A_23] : memref<2048x16x8x128xf32, #tpu.memory_space<hbm>> -> memref<2048x16x8x128xf32, #tpu.memory_space<hbm>>
    tpu.wait_indirect_dma semaphore(%arg9 : memref<!tpu.dma_semaphore, #tpu.memory_space<semaphore_mem>>) src(%dma_wait3A_24 : memref<2048x16x8x128xf32, #tpu.memory_space<hbm>>) dst(%arg8 : memref<4x16x8x128xf32, #tpu.memory_space<vmem>>)
    %mul3A_25 = arith.constant 4 : i32
    %mul3A_26 = arith.muli %add3A_4, %mul3A_25 : i32
    "tpu.region"() ({
      %run_scoped3A = tpu.sem_alloc : memref<!tpu.dma_semaphore, #tpu.memory_space<semaphore_mem>>
      %dma_start3A_53 = arith.constant 0 : i32
      %dma_start3A_54 = arith.constant 0 : i32
      %dma_start3A_55 = arith.constant 0 : i32
      %dma_start3A_56 = tpu.memref_slice %arg6[%mul3A_26, %dma_start3A_53, %dma_start3A_54, %dma_start3A_55] : memref<256x16x8x128xf32, #tpu.memory_space<hbm>> -> memref<4x16x8x128xf32, #tpu.memory_space<hbm>>
      %dma_start3A_57 = arith.constant 0 : i32
      %dma_start3A_58 = arith.constant 0 : i32
      %dma_start3A_59 = arith.constant 0 : i32
      %dma_start3A_60 = tpu.memref_slice %arg6[%mul3A_26, %dma_start3A_57, %dma_start3A_58, %dma_start3A_59] : memref<256x16x8x128xf32, #tpu.memory_space<hbm>> -> memref<4x16x8x128xf32, #tpu.memory_space<hbm>>
      tpu.enqueue_dma source(%arg8 : memref<4x16x8x128xf32, #tpu.memory_space<vmem>>) target(%dma_start3A_60 : memref<4x16x8x128xf32, #tpu.memory_space<hbm>>) target_semaphore(%run_scoped3A : memref<!tpu.dma_semaphore, #tpu.memory_space<semaphore_mem>>)
      %dma_wait3A_61 = arith.constant 0 : i32
      %dma_wait3A_62 = arith.constant 0 : i32
      %dma_wait3A_63 = arith.constant 0 : i32
      %dma_wait3A_64 = tpu.memref_slice %arg6[%mul3A_26, %dma_wait3A_61, %dma_wait3A_62, %dma_wait3A_63] : memref<256x16x8x128xf32, #tpu.memory_space<hbm>> -> memref<4x16x8x128xf32, #tpu.memory_space<hbm>>
      %dma_wait3A_65 = arith.constant 0 : i32
      %dma_wait3A_66 = arith.constant 0 : i32
      %dma_wait3A_67 = arith.constant 0 : i32
      %dma_wait3A_68 = tpu.memref_slice %arg6[%mul3A_26, %dma_wait3A_65, %dma_wait3A_66, %dma_wait3A_67] : memref<256x16x8x128xf32, #tpu.memory_space<hbm>> -> memref<4x16x8x128xf32, #tpu.memory_space<hbm>>
      tpu.wait_dma2 semaphore(%run_scoped3A : memref<!tpu.dma_semaphore, #tpu.memory_space<semaphore_mem>>) src(%arg8 : memref<4x16x8x128xf32, #tpu.memory_space<vmem>>) dst(%dma_wait3A_68 : memref<4x16x8x128xf32, #tpu.memory_space<hbm>>)
      tpu.yield
    }) : () -> ()
    %add3A_27 = arith.constant 1 : i32
    %add3A_28 = arith.addi %mul3A_2, %add3A_27 : i32
    "tpu.region"() ({
      %run_scoped3A = tpu.sem_alloc : memref<!tpu.dma_semaphore, #tpu.memory_space<semaphore_mem>>
      %dma_start3A_53 = arith.constant 0 : i32
      %dma_start3A_54 = tpu.memref_slice %arg2[%add3A_28, %dma_start3A_53] : memref<64x4xi32, #tpu.memory_space<hbm>> -> memref<1x4xi32, #tpu.memory_space<hbm>>
      %dma_start3A_55 = tpu.memref_squeeze %dma_start3A_54 : memref<1x4xi32, #tpu.memory_space<hbm>> -> memref<4xi32, #tpu.memory_space<hbm>>
      %dma_start3A_56 = arith.constant 0 : i32
      %dma_start3A_57 = tpu.memref_slice %arg2[%add3A_28, %dma_start3A_56] : memref<64x4xi32, #tpu.memory_space<hbm>> -> memref<1x4xi32, #tpu.memory_space<hbm>>
      %dma_start3A_58 = tpu.memref_squeeze %dma_start3A_57 : memref<1x4xi32, #tpu.memory_space<hbm>> -> memref<4xi32, #tpu.memory_space<hbm>>
      tpu.enqueue_dma source(%dma_start3A_58 : memref<4xi32, #tpu.memory_space<hbm>>) target(%arg7 : memref<4xi32, #tpu.memory_space<vmem>>) target_semaphore(%run_scoped3A : memref<!tpu.dma_semaphore, #tpu.memory_space<semaphore_mem>>)
      %dma_wait3A_59 = arith.constant 0 : i32
      %dma_wait3A_60 = tpu.memref_slice %arg2[%add3A_28, %dma_wait3A_59] : memref<64x4xi32, #tpu.memory_space<hbm>> -> memref<1x4xi32, #tpu.memory_space<hbm>>
      %dma_wait3A_61 = tpu.memref_squeeze %dma_wait3A_60 : memref<1x4xi32, #tpu.memory_space<hbm>> -> memref<4xi32, #tpu.memory_space<hbm>>
      %dma_wait3A_62 = arith.constant 0 : i32
      %dma_wait3A_63 = tpu.memref_slice %arg2[%add3A_28, %dma_wait3A_62] : memref<64x4xi32, #tpu.memory_space<hbm>> -> memref<1x4xi32, #tpu.memory_space<hbm>>
      %dma_wait3A_64 = tpu.memref_squeeze %dma_wait3A_63 : memref<1x4xi32, #tpu.memory_space<hbm>> -> memref<4xi32, #tpu.memory_space<hbm>>
      tpu.wait_dma2 semaphore(%run_scoped3A : memref<!tpu.dma_semaphore, #tpu.memory_space<semaphore_mem>>) src(%dma_wait3A_64 : memref<4xi32, #tpu.memory_space<hbm>>) dst(%arg7 : memref<4xi32, #tpu.memory_space<vmem>>)
      tpu.yield
    }) : () -> ()
    %dma_start3A_29 = arith.constant 0 : i32
    %dma_start3A_30 = arith.constant 0 : i32
    %dma_start3A_31 = arith.constant 0 : i32
    %dma_start3A_32 = arith.constant 0 : i32
    %dma_start3A_33 = tpu.memref_slice %arg3[%dma_start3A_29, %dma_start3A_30, %dma_start3A_31, %dma_start3A_32] : memref<2048x16x8x128xf32, #tpu.memory_space<hbm>> -> memref<2048x16x8x128xf32, #tpu.memory_space<hbm>>
    tpu.enqueue_indirect_dma source(%dma_start3A_33 : memref<2048x16x8x128xf32, #tpu.memory_space<hbm>>) target(%arg8 : memref<4x16x8x128xf32, #tpu.memory_space<vmem>>) offsets(%arg7 : memref<4xi32, #tpu.memory_space<vmem>>) semaphore(%arg9 : memref<!tpu.dma_semaphore, #tpu.memory_space<semaphore_mem>>)
    %dma_wait3A_34 = arith.constant 0 : i32
    %dma_wait3A_35 = arith.constant 0 : i32
    %dma_wait3A_36 = arith.constant 0 : i32
    %dma_wait3A_37 = arith.constant 0 : i32
    %dma_wait3A_38 = tpu.memref_slice %arg3[%dma_wait3A_34, %dma_wait3A_35, %dma_wait3A_36, %dma_wait3A_37] : memref<2048x16x8x128xf32, #tpu.memory_space<hbm>> -> memref<2048x16x8x128xf32, #tpu.memory_space<hbm>>
    tpu.wait_indirect_dma semaphore(%arg9 : memref<!tpu.dma_semaphore, #tpu.memory_space<semaphore_mem>>) src(%dma_wait3A_38 : memref<2048x16x8x128xf32, #tpu.memory_space<hbm>>) dst(%arg8 : memref<4x16x8x128xf32, #tpu.memory_space<vmem>>)
    %mul3A_39 = arith.constant 4 : i32
    %mul3A_40 = arith.muli %add3A_28, %mul3A_39 : i32
    "tpu.region"() ({
      %run_scoped3A = tpu.sem_alloc : memref<!tpu.dma_semaphore, #tpu.memory_space<semaphore_mem>>
      %dma_start3A_53 = arith.constant 0 : i32
      %dma_start3A_54 = arith.constant 0 : i32
      %dma_start3A_55 = arith.constant 0 : i32
      %dma_start3A_56 = tpu.memref_slice %arg5[%mul3A_40, %dma_start3A_53, %dma_start3A_54, %dma_start3A_55] : memref<256x16x8x128xf32, #tpu.memory_space<hbm>> -> memref<4x16x8x128xf32, #tpu.memory_space<hbm>>
      %dma_start3A_57 = arith.constant 0 : i32
      %dma_start3A_58 = arith.constant 0 : i32
      %dma_start3A_59 = arith.constant 0 : i32
      %dma_start3A_60 = tpu.memref_slice %arg5[%mul3A_40, %dma_start3A_57, %dma_start3A_58, %dma_start3A_59] : memref<256x16x8x128xf32, #tpu.memory_space<hbm>> -> memref<4x16x8x128xf32, #tpu.memory_space<hbm>>
      tpu.enqueue_dma source(%arg8 : memref<4x16x8x128xf32, #tpu.memory_space<vmem>>) target(%dma_start3A_60 : memref<4x16x8x128xf32, #tpu.memory_space<hbm>>) target_semaphore(%run_scoped3A : memref<!tpu.dma_semaphore, #tpu.memory_space<semaphore_mem>>)
      %dma_wait3A_61 = arith.constant 0 : i32
      %dma_wait3A_62 = arith.constant 0 : i32
      %dma_wait3A_63 = arith.constant 0 : i32
      %dma_wait3A_64 = tpu.memref_slice %arg5[%mul3A_40, %dma_wait3A_61, %dma_wait3A_62, %dma_wait3A_63] : memref<256x16x8x128xf32, #tpu.memory_space<hbm>> -> memref<4x16x8x128xf32, #tpu.memory_space<hbm>>
      %dma_wait3A_65 = arith.constant 0 : i32
      %dma_wait3A_66 = arith.constant 0 : i32
      %dma_wait3A_67 = arith.constant 0 : i32
      %dma_wait3A_68 = tpu.memref_slice %arg5[%mul3A_40, %dma_wait3A_65, %dma_wait3A_66, %dma_wait3A_67] : memref<256x16x8x128xf32, #tpu.memory_space<hbm>> -> memref<4x16x8x128xf32, #tpu.memory_space<hbm>>
      tpu.wait_dma2 semaphore(%run_scoped3A : memref<!tpu.dma_semaphore, #tpu.memory_space<semaphore_mem>>) src(%arg8 : memref<4x16x8x128xf32, #tpu.memory_space<vmem>>) dst(%dma_wait3A_68 : memref<4x16x8x128xf32, #tpu.memory_space<hbm>>)
      tpu.yield
    }) : () -> ()
    %dma_start3A_41 = arith.constant 0 : i32
    %dma_start3A_42 = arith.constant 0 : i32
    %dma_start3A_43 = arith.constant 0 : i32
    %dma_start3A_44 = arith.constant 0 : i32
    %dma_start3A_45 = tpu.memref_slice %arg4[%dma_start3A_41, %dma_start3A_42, %dma_start3A_43, %dma_start3A_44] : memref<2048x16x8x128xf32, #tpu.memory_space<hbm>> -> memref<2048x16x8x128xf32, #tpu.memory_space<hbm>>
    tpu.enqueue_indirect_dma source(%dma_start3A_45 : memref<2048x16x8x128xf32, #tpu.memory_space<hbm>>) target(%arg8 : memref<4x16x8x128xf32, #tpu.memory_space<vmem>>) offsets(%arg7 : memref<4xi32, #tpu.memory_space<vmem>>) semaphore(%arg9 : memref<!tpu.dma_semaphore, #tpu.memory_space<semaphore_mem>>)
    %dma_wait3A_46 = arith.constant 0 : i32
    %dma_wait3A_47 = arith.constant 0 : i32
    %dma_wait3A_48 = arith.constant 0 : i32
    %dma_wait3A_49 = arith.constant 0 : i32
    %dma_wait3A_50 = tpu.memref_slice %arg4[%dma_wait3A_46, %dma_wait3A_47, %dma_wait3A_48, %dma_wait3A_49] : memref<2048x16x8x128xf32, #tpu.memory_space<hbm>> -> memref<2048x16x8x128xf32, #tpu.memory_space<hbm>>
    tpu.wait_indirect_dma semaphore(%arg9 : memref<!tpu.dma_semaphore, #tpu.memory_space<semaphore_mem>>) src(%dma_wait3A_50 : memref<2048x16x8x128xf32, #tpu.memory_space<hbm>>) dst(%arg8 : memref<4x16x8x128xf32, #tpu.memory_space<vmem>>)
    %mul3A_51 = arith.constant 4 : i32
    %mul3A_52 = arith.muli %add3A_28, %mul3A_51 : i32
    "tpu.region"() ({
      %run_scoped3A = tpu.sem_alloc : memref<!tpu.dma_semaphore, #tpu.memory_space<semaphore_mem>>
      %dma_start3A_53 = arith.constant 0 : i32
      %dma_start3A_54 = arith.constant 0 : i32
      %dma_start3A_55 = arith.constant 0 : i32
      %dma_start3A_56 = tpu.memref_slice %arg6[%mul3A_52, %dma_start3A_53, %dma_start3A_54, %dma_start3A_55] : memref<256x16x8x128xf32, #tpu.memory_space<hbm>> -> memref<4x16x8x128xf32, #tpu.memory_space<hbm>>
      %dma_start3A_57 = arith.constant 0 : i32
      %dma_start3A_58 = arith.constant 0 : i32
      %dma_start3A_59 = arith.constant 0 : i32
      %dma_start3A_60 = tpu.memref_slice %arg6[%mul3A_52, %dma_start3A_57, %dma_start3A_58, %dma_start3A_59] : memref<256x16x8x128xf32, #tpu.memory_space<hbm>> -> memref<4x16x8x128xf32, #tpu.memory_space<hbm>>
      tpu.enqueue_dma source(%arg8 : memref<4x16x8x128xf32, #tpu.memory_space<vmem>>) target(%dma_start3A_60 : memref<4x16x8x128xf32, #tpu.memory_space<hbm>>) target_semaphore(%run_scoped3A : memref<!tpu.dma_semaphore, #tpu.memory_space<semaphore_mem>>)
      %dma_wait3A_61 = arith.constant 0 : i32
      %dma_wait3A_62 = arith.constant 0 : i32
      %dma_wait3A_63 = arith.constant 0 : i32
      %dma_wait3A_64 = tpu.memref_slice %arg6[%mul3A_52, %dma_wait3A_61, %dma_wait3A_62, %dma_wait3A_63] : memref<256x16x8x128xf32, #tpu.memory_space<hbm>> -> memref<4x16x8x128xf32, #tpu.memory_space<hbm>>
      %dma_wait3A_65 = arith.constant 0 : i32
      %dma_wait3A_66 = arith.constant 0 : i32
      %dma_wait3A_67 = arith.constant 0 : i32
      %dma_wait3A_68 = tpu.memref_slice %arg6[%mul3A_52, %dma_wait3A_65, %dma_wait3A_66, %dma_wait3A_67] : memref<256x16x8x128xf32, #tpu.memory_space<hbm>> -> memref<4x16x8x128xf32, #tpu.memory_space<hbm>>
      tpu.wait_dma2 semaphore(%run_scoped3A : memref<!tpu.dma_semaphore, #tpu.memory_space<semaphore_mem>>) src(%arg8 : memref<4x16x8x128xf32, #tpu.memory_space<vmem>>) dst(%dma_wait3A_68 : memref<4x16x8x128xf32, #tpu.memory_space<hbm>>)
      tpu.yield
    }) : () -> ()
    return
  }
}

module attributes {stable_mosaic.version = 14 : i64} {
  func.func @_proj_kernel(%arg0: i32, %arg1: memref<1x4096xf32, #tpu.memory_space<vmem>>, %arg2: memref<128x4096xf32, #tpu.memory_space<vmem>>, %arg3: memref<128x4096xf32, #tpu.memory_space<vmem>>, %arg4: memref<128x4096xf32, #tpu.memory_space<vmem>>, %arg5: memref<128x4096xf32, #tpu.memory_space<vmem>>, %arg6: memref<128x4096xf32, #tpu.memory_space<vmem>>, %arg7: memref<128x4096xf32, #tpu.memory_space<vmem>>, %arg8: memref<128x4096xf32, #tpu.memory_space<vmem>>, %arg9: memref<128x4096xf32, #tpu.memory_space<vmem>>, %arg10: memref<1x128xf32, #tpu.memory_space<vmem>>, %arg11: memref<1x128xf32, #tpu.memory_space<vmem>>, %arg12: memref<8x128xf32, #tpu.memory_space<vmem>>) attributes {dimension_semantics = [#tpu.dimension_semantics<arbitrary>], iteration_bounds = array<i64: 1>, scalar_prefetch = 0 : i64, scratch_operands = 0 : i64, tpu.core_type = #tpu.core_type<tc>, window_params = [{pipeline_mode = #tpu.pipeline_mode<synchronous>, transform_indices = @transform_0, window_bounds = array<i64: 1, 4096>}, {transform_indices = @transform_1, window_bounds = array<i64: 128, 4096>}, {transform_indices = @transform_2, window_bounds = array<i64: 128, 4096>}, {transform_indices = @transform_3, window_bounds = array<i64: 128, 4096>}, {transform_indices = @transform_4, window_bounds = array<i64: 128, 4096>}, {transform_indices = @transform_5, window_bounds = array<i64: 128, 4096>}, {transform_indices = @transform_6, window_bounds = array<i64: 128, 4096>}, {transform_indices = @transform_7, window_bounds = array<i64: 128, 4096>}, {transform_indices = @transform_8, window_bounds = array<i64: 128, 4096>}, {pipeline_mode = #tpu.pipeline_mode<synchronous>, transform_indices = @transform_9, window_bounds = array<i64: 1, 128>}, {pipeline_mode = #tpu.pipeline_mode<synchronous>, transform_indices = @transform_10, window_bounds = array<i64: 1, 128>}, {transform_indices = @transform_11, window_bounds = array<i64: 8, 128>}]} {
    %get3A = arith.constant 0 : index
    %get3A_0 = arith.constant 0 : index
    %get3A_1 = vector.load %arg1[%get3A, %get3A_0] : memref<1x4096xf32, #tpu.memory_space<vmem>>, vector<1x4096xf32>
    %get3A_2 = arith.constant 0 : index
    %get3A_3 = arith.constant 0 : index
    %get3A_4 = vector.load %arg2[%get3A_2, %get3A_3] : memref<128x4096xf32, #tpu.memory_space<vmem>>, vector<128x4096xf32>
    %dot_general3A = arith.constant dense<0.000000e+00> : vector<1x128xf32>
    %dot_general3A_5 = tpu.matmul %get3A_1, %get3A_4, %dot_general3A {dimension_numbers = #tpu.dot_dimension_numbers<[1], [1], [0], [0], [0, 0, 1, 0], [], []>, transpose_lhs_hint = false} : vector<1x4096xf32>, vector<128x4096xf32>, vector<1x128xf32> -> vector<1x128xf32>
    %slice3A = vector.extract_strided_slice %dot_general3A_5 {offsets = [0, 64], sizes = [1, 64], strides = [1, 1]} : vector<1x128xf32> to vector<1x64xf32>
    %neg3A = arith.constant 0.000000e+00 : f32
    %neg3A_6 = vector.broadcast %neg3A : f32 to vector<1x64xf32>
    %neg3A_7 = arith.subf %neg3A_6, %slice3A : vector<1x64xf32>
    %slice3A_8 = vector.extract_strided_slice %dot_general3A_5 {offsets = [0, 0], sizes = [1, 64], strides = [1, 1]} : vector<1x128xf32> to vector<1x64xf32>
    %concatenate3A = tpu.concatenate %neg3A_7, %slice3A_8 in 1 : vector<1x64xf32>, vector<1x64xf32> -> vector<1x128xf32>
    %get3A_9 = arith.constant 0 : index
    %get3A_10 = arith.constant 0 : index
    %get3A_11 = vector.load %arg10[%get3A_9, %get3A_10] : memref<1x128xf32, #tpu.memory_space<vmem>>, vector<1x128xf32>
    %get3A_12 = arith.constant 0 : index
    %get3A_13 = arith.constant 0 : index
    %get3A_14 = vector.load %arg11[%get3A_12, %get3A_13] : memref<1x128xf32, #tpu.memory_space<vmem>>, vector<1x128xf32>
    %mul3A = arith.mulf %dot_general3A_5, %get3A_11 : vector<1x128xf32>
    %mul3A_15 = arith.mulf %concatenate3A, %get3A_14 : vector<1x128xf32>
    %add3A = arith.addf %mul3A, %mul3A_15 : vector<1x128xf32>
    %swap3A = arith.constant 0 : index
    %swap3A_16 = arith.constant 0 : index
    %swap3A_17 = vector.load %arg12[%swap3A, %swap3A_16] : memref<8x128xf32, #tpu.memory_space<vmem>>, vector<1x128xf32>
    tpu.vector_store %arg12[%swap3A, %swap3A_16], %add3A {strides = array<i32>} : memref<8x128xf32, #tpu.memory_space<vmem>>, vector<1x128xf32>,
    %get3A_18 = arith.constant 0 : index
    %get3A_19 = arith.constant 0 : index
    %get3A_20 = vector.load %arg1[%get3A_18, %get3A_19] : memref<1x4096xf32, #tpu.memory_space<vmem>>, vector<1x4096xf32>
    %get3A_21 = arith.constant 0 : index
    %get3A_22 = arith.constant 0 : index
    %get3A_23 = vector.load %arg3[%get3A_21, %get3A_22] : memref<128x4096xf32, #tpu.memory_space<vmem>>, vector<128x4096xf32>
    %dot_general3A_24 = arith.constant dense<0.000000e+00> : vector<1x128xf32>
    %dot_general3A_25 = tpu.matmul %get3A_20, %get3A_23, %dot_general3A_24 {dimension_numbers = #tpu.dot_dimension_numbers<[1], [1], [0], [0], [0, 0, 1, 0], [], []>, transpose_lhs_hint = false} : vector<1x4096xf32>, vector<128x4096xf32>, vector<1x128xf32> -> vector<1x128xf32>
    %slice3A_26 = vector.extract_strided_slice %dot_general3A_25 {offsets = [0, 64], sizes = [1, 64], strides = [1, 1]} : vector<1x128xf32> to vector<1x64xf32>
    %neg3A_27 = arith.constant 0.000000e+00 : f32
    %neg3A_28 = vector.broadcast %neg3A_27 : f32 to vector<1x64xf32>
    %neg3A_29 = arith.subf %neg3A_28, %slice3A_26 : vector<1x64xf32>
    %slice3A_30 = vector.extract_strided_slice %dot_general3A_25 {offsets = [0, 0], sizes = [1, 64], strides = [1, 1]} : vector<1x128xf32> to vector<1x64xf32>
    %concatenate3A_31 = tpu.concatenate %neg3A_29, %slice3A_30 in 1 : vector<1x64xf32>, vector<1x64xf32> -> vector<1x128xf32>
    %get3A_32 = arith.constant 0 : index
    %get3A_33 = arith.constant 0 : index
    %get3A_34 = vector.load %arg10[%get3A_32, %get3A_33] : memref<1x128xf32, #tpu.memory_space<vmem>>, vector<1x128xf32>
    %get3A_35 = arith.constant 0 : index
    %get3A_36 = arith.constant 0 : index
    %get3A_37 = vector.load %arg11[%get3A_35, %get3A_36] : memref<1x128xf32, #tpu.memory_space<vmem>>, vector<1x128xf32>
    %mul3A_38 = arith.mulf %dot_general3A_25, %get3A_34 : vector<1x128xf32>
    %mul3A_39 = arith.mulf %concatenate3A_31, %get3A_37 : vector<1x128xf32>
    %add3A_40 = arith.addf %mul3A_38, %mul3A_39 : vector<1x128xf32>
    %swap3A_41 = arith.constant 1 : index
    %swap3A_42 = arith.constant 0 : index
    %swap3A_43 = vector.load %arg12[%swap3A_41, %swap3A_42] : memref<8x128xf32, #tpu.memory_space<vmem>>, vector<1x128xf32>
    tpu.vector_store %arg12[%swap3A_41, %swap3A_42], %add3A_40 {strides = array<i32>} : memref<8x128xf32, #tpu.memory_space<vmem>>, vector<1x128xf32>,
    %get3A_44 = arith.constant 0 : index
    %get3A_45 = arith.constant 0 : index
    %get3A_46 = vector.load %arg1[%get3A_44, %get3A_45] : memref<1x4096xf32, #tpu.memory_space<vmem>>, vector<1x4096xf32>
    %get3A_47 = arith.constant 0 : index
    %get3A_48 = arith.constant 0 : index
    %get3A_49 = vector.load %arg4[%get3A_47, %get3A_48] : memref<128x4096xf32, #tpu.memory_space<vmem>>, vector<128x4096xf32>
    %dot_general3A_50 = arith.constant dense<0.000000e+00> : vector<1x128xf32>
    %dot_general3A_51 = tpu.matmul %get3A_46, %get3A_49, %dot_general3A_50 {dimension_numbers = #tpu.dot_dimension_numbers<[1], [1], [0], [0], [0, 0, 1, 0], [], []>, transpose_lhs_hint = false} : vector<1x4096xf32>, vector<128x4096xf32>, vector<1x128xf32> -> vector<1x128xf32>
    %slice3A_52 = vector.extract_strided_slice %dot_general3A_51 {offsets = [0, 64], sizes = [1, 64], strides = [1, 1]} : vector<1x128xf32> to vector<1x64xf32>
    %neg3A_53 = arith.constant 0.000000e+00 : f32
    %neg3A_54 = vector.broadcast %neg3A_53 : f32 to vector<1x64xf32>
    %neg3A_55 = arith.subf %neg3A_54, %slice3A_52 : vector<1x64xf32>
    %slice3A_56 = vector.extract_strided_slice %dot_general3A_51 {offsets = [0, 0], sizes = [1, 64], strides = [1, 1]} : vector<1x128xf32> to vector<1x64xf32>
    %concatenate3A_57 = tpu.concatenate %neg3A_55, %slice3A_56 in 1 : vector<1x64xf32>, vector<1x64xf32> -> vector<1x128xf32>
    %get3A_58 = arith.constant 0 : index
    %get3A_59 = arith.constant 0 : index
    %get3A_60 = vector.load %arg10[%get3A_58, %get3A_59] : memref<1x128xf32, #tpu.memory_space<vmem>>, vector<1x128xf32>
    %get3A_61 = arith.constant 0 : index
    %get3A_62 = arith.constant 0 : index
    %get3A_63 = vector.load %arg11[%get3A_61, %get3A_62] : memref<1x128xf32, #tpu.memory_space<vmem>>, vector<1x128xf32>
    %mul3A_64 = arith.mulf %dot_general3A_51, %get3A_60 : vector<1x128xf32>
    %mul3A_65 = arith.mulf %concatenate3A_57, %get3A_63 : vector<1x128xf32>
    %add3A_66 = arith.addf %mul3A_64, %mul3A_65 : vector<1x128xf32>
    %swap3A_67 = arith.constant 2 : index
    %swap3A_68 = arith.constant 0 : index
    %swap3A_69 = vector.load %arg12[%swap3A_67, %swap3A_68] : memref<8x128xf32, #tpu.memory_space<vmem>>, vector<1x128xf32>
    tpu.vector_store %arg12[%swap3A_67, %swap3A_68], %add3A_66 {strides = array<i32>} : memref<8x128xf32, #tpu.memory_space<vmem>>, vector<1x128xf32>,
    %get3A_70 = arith.constant 0 : index
    %get3A_71 = arith.constant 0 : index
    %get3A_72 = vector.load %arg1[%get3A_70, %get3A_71] : memref<1x4096xf32, #tpu.memory_space<vmem>>, vector<1x4096xf32>
    %get3A_73 = arith.constant 0 : index
    %get3A_74 = arith.constant 0 : index
    %get3A_75 = vector.load %arg5[%get3A_73, %get3A_74] : memref<128x4096xf32, #tpu.memory_space<vmem>>, vector<128x4096xf32>
    %dot_general3A_76 = arith.constant dense<0.000000e+00> : vector<1x128xf32>
    %dot_general3A_77 = tpu.matmul %get3A_72, %get3A_75, %dot_general3A_76 {dimension_numbers = #tpu.dot_dimension_numbers<[1], [1], [0], [0], [0, 0, 1, 0], [], []>, transpose_lhs_hint = false} : vector<1x4096xf32>, vector<128x4096xf32>, vector<1x128xf32> -> vector<1x128xf32>
    %slice3A_78 = vector.extract_strided_slice %dot_general3A_77 {offsets = [0, 64], sizes = [1, 64], strides = [1, 1]} : vector<1x128xf32> to vector<1x64xf32>
    %neg3A_79 = arith.constant 0.000000e+00 : f32
    %neg3A_80 = vector.broadcast %neg3A_79 : f32 to vector<1x64xf32>
    %neg3A_81 = arith.subf %neg3A_80, %slice3A_78 : vector<1x64xf32>
    %slice3A_82 = vector.extract_strided_slice %dot_general3A_77 {offsets = [0, 0], sizes = [1, 64], strides = [1, 1]} : vector<1x128xf32> to vector<1x64xf32>
    %concatenate3A_83 = tpu.concatenate %neg3A_81, %slice3A_82 in 1 : vector<1x64xf32>, vector<1x64xf32> -> vector<1x128xf32>
    %get3A_84 = arith.constant 0 : index
    %get3A_85 = arith.constant 0 : index
    %get3A_86 = vector.load %arg10[%get3A_84, %get3A_85] : memref<1x128xf32, #tpu.memory_space<vmem>>, vector<1x128xf32>
    %get3A_87 = arith.constant 0 : index
    %get3A_88 = arith.constant 0 : index
    %get3A_89 = vector.load %arg11[%get3A_87, %get3A_88] : memref<1x128xf32, #tpu.memory_space<vmem>>, vector<1x128xf32>
    %mul3A_90 = arith.mulf %dot_general3A_77, %get3A_86 : vector<1x128xf32>
    %mul3A_91 = arith.mulf %concatenate3A_83, %get3A_89 : vector<1x128xf32>
    %add3A_92 = arith.addf %mul3A_90, %mul3A_91 : vector<1x128xf32>
    %swap3A_93 = arith.constant 3 : index
    %swap3A_94 = arith.constant 0 : index
    %swap3A_95 = vector.load %arg12[%swap3A_93, %swap3A_94] : memref<8x128xf32, #tpu.memory_space<vmem>>, vector<1x128xf32>
    tpu.vector_store %arg12[%swap3A_93, %swap3A_94], %add3A_92 {strides = array<i32>} : memref<8x128xf32, #tpu.memory_space<vmem>>, vector<1x128xf32>,
    %get3A_96 = arith.constant 0 : index
    %get3A_97 = arith.constant 0 : index
    %get3A_98 = vector.load %arg1[%get3A_96, %get3A_97] : memref<1x4096xf32, #tpu.memory_space<vmem>>, vector<1x4096xf32>
    %get3A_99 = arith.constant 0 : index
    %get3A_100 = arith.constant 0 : index
    %get3A_101 = vector.load %arg6[%get3A_99, %get3A_100] : memref<128x4096xf32, #tpu.memory_space<vmem>>, vector<128x4096xf32>
    %dot_general3A_102 = arith.constant dense<0.000000e+00> : vector<1x128xf32>
    %dot_general3A_103 = tpu.matmul %get3A_98, %get3A_101, %dot_general3A_102 {dimension_numbers = #tpu.dot_dimension_numbers<[1], [1], [0], [0], [0, 0, 1, 0], [], []>, transpose_lhs_hint = false} : vector<1x4096xf32>, vector<128x4096xf32>, vector<1x128xf32> -> vector<1x128xf32>
    %slice3A_104 = vector.extract_strided_slice %dot_general3A_103 {offsets = [0, 64], sizes = [1, 64], strides = [1, 1]} : vector<1x128xf32> to vector<1x64xf32>
    %neg3A_105 = arith.constant 0.000000e+00 : f32
    %neg3A_106 = vector.broadcast %neg3A_105 : f32 to vector<1x64xf32>
    %neg3A_107 = arith.subf %neg3A_106, %slice3A_104 : vector<1x64xf32>
    %slice3A_108 = vector.extract_strided_slice %dot_general3A_103 {offsets = [0, 0], sizes = [1, 64], strides = [1, 1]} : vector<1x128xf32> to vector<1x64xf32>
    %concatenate3A_109 = tpu.concatenate %neg3A_107, %slice3A_108 in 1 : vector<1x64xf32>, vector<1x64xf32> -> vector<1x128xf32>
    %get3A_110 = arith.constant 0 : index
    %get3A_111 = arith.constant 0 : index
    %get3A_112 = vector.load %arg10[%get3A_110, %get3A_111] : memref<1x128xf32, #tpu.memory_space<vmem>>, vector<1x128xf32>
    %get3A_113 = arith.constant 0 : index
    %get3A_114 = arith.constant 0 : index
    %get3A_115 = vector.load %arg11[%get3A_113, %get3A_114] : memref<1x128xf32, #tpu.memory_space<vmem>>, vector<1x128xf32>
    %mul3A_116 = arith.mulf %dot_general3A_103, %get3A_112 : vector<1x128xf32>
    %mul3A_117 = arith.mulf %concatenate3A_109, %get3A_115 : vector<1x128xf32>
    %add3A_118 = arith.addf %mul3A_116, %mul3A_117 : vector<1x128xf32>
    %swap3A_119 = arith.constant 4 : index
    %swap3A_120 = arith.constant 0 : index
    %swap3A_121 = vector.load %arg12[%swap3A_119, %swap3A_120] : memref<8x128xf32, #tpu.memory_space<vmem>>, vector<1x128xf32>
    tpu.vector_store %arg12[%swap3A_119, %swap3A_120], %add3A_118 {strides = array<i32>} : memref<8x128xf32, #tpu.memory_space<vmem>>, vector<1x128xf32>,
    %get3A_122 = arith.constant 0 : index
    %get3A_123 = arith.constant 0 : index
    %get3A_124 = vector.load %arg1[%get3A_122, %get3A_123] : memref<1x4096xf32, #tpu.memory_space<vmem>>, vector<1x4096xf32>
    %get3A_125 = arith.constant 0 : index
    %get3A_126 = arith.constant 0 : index
    %get3A_127 = vector.load %arg7[%get3A_125, %get3A_126] : memref<128x4096xf32, #tpu.memory_space<vmem>>, vector<128x4096xf32>
    %dot_general3A_128 = arith.constant dense<0.000000e+00> : vector<1x128xf32>
    %dot_general3A_129 = tpu.matmul %get3A_124, %get3A_127, %dot_general3A_128 {dimension_numbers = #tpu.dot_dimension_numbers<[1], [1], [0], [0], [0, 0, 1, 0], [], []>, transpose_lhs_hint = false} : vector<1x4096xf32>, vector<128x4096xf32>, vector<1x128xf32> -> vector<1x128xf32>
    %slice3A_130 = vector.extract_strided_slice %dot_general3A_129 {offsets = [0, 64], sizes = [1, 64], strides = [1, 1]} : vector<1x128xf32> to vector<1x64xf32>
    %neg3A_131 = arith.constant 0.000000e+00 : f32
    %neg3A_132 = vector.broadcast %neg3A_131 : f32 to vector<1x64xf32>
    %neg3A_133 = arith.subf %neg3A_132, %slice3A_130 : vector<1x64xf32>
    %slice3A_134 = vector.extract_strided_slice %dot_general3A_129 {offsets = [0, 0], sizes = [1, 64], strides = [1, 1]} : vector<1x128xf32> to vector<1x64xf32>
    %concatenate3A_135 = tpu.concatenate %neg3A_133, %slice3A_134 in 1 : vector<1x64xf32>, vector<1x64xf32> -> vector<1x128xf32>
    %get3A_136 = arith.constant 0 : index
    %get3A_137 = arith.constant 0 : index
    %get3A_138 = vector.load %arg10[%get3A_136, %get3A_137] : memref<1x128xf32, #tpu.memory_space<vmem>>, vector<1x128xf32>
    %get3A_139 = arith.constant 0 : index
    %get3A_140 = arith.constant 0 : index
    %get3A_141 = vector.load %arg11[%get3A_139, %get3A_140] : memref<1x128xf32, #tpu.memory_space<vmem>>, vector<1x128xf32>
    %mul3A_142 = arith.mulf %dot_general3A_129, %get3A_138 : vector<1x128xf32>
    %mul3A_143 = arith.mulf %concatenate3A_135, %get3A_141 : vector<1x128xf32>
    %add3A_144 = arith.addf %mul3A_142, %mul3A_143 : vector<1x128xf32>
    %swap3A_145 = arith.constant 5 : index
    %swap3A_146 = arith.constant 0 : index
    %swap3A_147 = vector.load %arg12[%swap3A_145, %swap3A_146] : memref<8x128xf32, #tpu.memory_space<vmem>>, vector<1x128xf32>
    tpu.vector_store %arg12[%swap3A_145, %swap3A_146], %add3A_144 {strides = array<i32>} : memref<8x128xf32, #tpu.memory_space<vmem>>, vector<1x128xf32>,
    %get3A_148 = arith.constant 0 : index
    %get3A_149 = arith.constant 0 : index
    %get3A_150 = vector.load %arg1[%get3A_148, %get3A_149] : memref<1x4096xf32, #tpu.memory_space<vmem>>, vector<1x4096xf32>
    %get3A_151 = arith.constant 0 : index
    %get3A_152 = arith.constant 0 : index
    %get3A_153 = vector.load %arg8[%get3A_151, %get3A_152] : memref<128x4096xf32, #tpu.memory_space<vmem>>, vector<128x4096xf32>
    %dot_general3A_154 = arith.constant dense<0.000000e+00> : vector<1x128xf32>
    %dot_general3A_155 = tpu.matmul %get3A_150, %get3A_153, %dot_general3A_154 {dimension_numbers = #tpu.dot_dimension_numbers<[1], [1], [0], [0], [0, 0, 1, 0], [], []>, transpose_lhs_hint = false} : vector<1x4096xf32>, vector<128x4096xf32>, vector<1x128xf32> -> vector<1x128xf32>
    %slice3A_156 = vector.extract_strided_slice %dot_general3A_155 {offsets = [0, 64], sizes = [1, 64], strides = [1, 1]} : vector<1x128xf32> to vector<1x64xf32>
    %neg3A_157 = arith.constant 0.000000e+00 : f32
    %neg3A_158 = vector.broadcast %neg3A_157 : f32 to vector<1x64xf32>
    %neg3A_159 = arith.subf %neg3A_158, %slice3A_156 : vector<1x64xf32>
    %slice3A_160 = vector.extract_strided_slice %dot_general3A_155 {offsets = [0, 0], sizes = [1, 64], strides = [1, 1]} : vector<1x128xf32> to vector<1x64xf32>
    %concatenate3A_161 = tpu.concatenate %neg3A_159, %slice3A_160 in 1 : vector<1x64xf32>, vector<1x64xf32> -> vector<1x128xf32>
    %get3A_162 = arith.constant 0 : index
    %get3A_163 = arith.constant 0 : index
    %get3A_164 = vector.load %arg10[%get3A_162, %get3A_163] : memref<1x128xf32, #tpu.memory_space<vmem>>, vector<1x128xf32>
    %get3A_165 = arith.constant 0 : index
    %get3A_166 = arith.constant 0 : index
    %get3A_167 = vector.load %arg11[%get3A_165, %get3A_166] : memref<1x128xf32, #tpu.memory_space<vmem>>, vector<1x128xf32>
    %mul3A_168 = arith.mulf %dot_general3A_155, %get3A_164 : vector<1x128xf32>
    %mul3A_169 = arith.mulf %concatenate3A_161, %get3A_167 : vector<1x128xf32>
    %add3A_170 = arith.addf %mul3A_168, %mul3A_169 : vector<1x128xf32>
    %swap3A_171 = arith.constant 6 : index
    %swap3A_172 = arith.constant 0 : index
    %swap3A_173 = vector.load %arg12[%swap3A_171, %swap3A_172] : memref<8x128xf32, #tpu.memory_space<vmem>>, vector<1x128xf32>
    tpu.vector_store %arg12[%swap3A_171, %swap3A_172], %add3A_170 {strides = array<i32>} : memref<8x128xf32, #tpu.memory_space<vmem>>, vector<1x128xf32>,
    %get3A_174 = arith.constant 0 : index
    %get3A_175 = arith.constant 0 : index
    %get3A_176 = vector.load %arg1[%get3A_174, %get3A_175] : memref<1x4096xf32, #tpu.memory_space<vmem>>, vector<1x4096xf32>
    %get3A_177 = arith.constant 0 : index
    %get3A_178 = arith.constant 0 : index
    %get3A_179 = vector.load %arg9[%get3A_177, %get3A_178] : memref<128x4096xf32, #tpu.memory_space<vmem>>, vector<128x4096xf32>
    %dot_general3A_180 = arith.constant dense<0.000000e+00> : vector<1x128xf32>
    %dot_general3A_181 = tpu.matmul %get3A_176, %get3A_179, %dot_general3A_180 {dimension_numbers = #tpu.dot_dimension_numbers<[1], [1], [0], [0], [0, 0, 1, 0], [], []>, transpose_lhs_hint = false} : vector<1x4096xf32>, vector<128x4096xf32>, vector<1x128xf32> -> vector<1x128xf32>
    %slice3A_182 = vector.extract_strided_slice %dot_general3A_181 {offsets = [0, 64], sizes = [1, 64], strides = [1, 1]} : vector<1x128xf32> to vector<1x64xf32>
    %neg3A_183 = arith.constant 0.000000e+00 : f32
    %neg3A_184 = vector.broadcast %neg3A_183 : f32 to vector<1x64xf32>
    %neg3A_185 = arith.subf %neg3A_184, %slice3A_182 : vector<1x64xf32>
    %slice3A_186 = vector.extract_strided_slice %dot_general3A_181 {offsets = [0, 0], sizes = [1, 64], strides = [1, 1]} : vector<1x128xf32> to vector<1x64xf32>
    %concatenate3A_187 = tpu.concatenate %neg3A_185, %slice3A_186 in 1 : vector<1x64xf32>, vector<1x64xf32> -> vector<1x128xf32>
    %get3A_188 = arith.constant 0 : index
    %get3A_189 = arith.constant 0 : index
    %get3A_190 = vector.load %arg10[%get3A_188, %get3A_189] : memref<1x128xf32, #tpu.memory_space<vmem>>, vector<1x128xf32>
    %get3A_191 = arith.constant 0 : index
    %get3A_192 = arith.constant 0 : index
    %get3A_193 = vector.load %arg11[%get3A_191, %get3A_192] : memref<1x128xf32, #tpu.memory_space<vmem>>, vector<1x128xf32>
    %mul3A_194 = arith.mulf %dot_general3A_181, %get3A_190 : vector<1x128xf32>
    %mul3A_195 = arith.mulf %concatenate3A_187, %get3A_193 : vector<1x128xf32>
    %add3A_196 = arith.addf %mul3A_194, %mul3A_195 : vector<1x128xf32>
    %swap3A_197 = arith.constant 7 : index
    %swap3A_198 = arith.constant 0 : index
    %swap3A_199 = vector.load %arg12[%swap3A_197, %swap3A_198] : memref<8x128xf32, #tpu.memory_space<vmem>>, vector<1x128xf32>
    tpu.vector_store %arg12[%swap3A_197, %swap3A_198], %add3A_196 {strides = array<i32>} : memref<8x128xf32, #tpu.memory_space<vmem>>, vector<1x128xf32>,
    return
  }
  func.func @transform_0(%arg0: i32) -> (i32, i32) {
    %c0_i32 = arith.constant 0 : i32
    %c0_i32_0 = arith.constant 0 : i32
    %c0_i32_1 = arith.constant 0 : i32
    return %c0_i32, %c0_i32_0 : i32, i32
  }
  func.func @transform_1(%arg0: i32) -> (i32, i32) {
    %add3A = arith.constant 0 : i32
    %add3A_0 = arith.addi %add3A, %arg0 : i32
    %c0_i32 = arith.constant 0 : i32
    %c0_i32_1 = arith.constant 0 : i32
    return %add3A_0, %c0_i32 : i32, i32
  }
  func.func @transform_2(%arg0: i32) -> (i32, i32) {
    %add3A = arith.constant 1 : i32
    %add3A_0 = arith.addi %add3A, %arg0 : i32
    %c0_i32 = arith.constant 0 : i32
    %c0_i32_1 = arith.constant 0 : i32
    return %add3A_0, %c0_i32 : i32, i32
  }
  func.func @transform_3(%arg0: i32) -> (i32, i32) {
    %add3A = arith.constant 2 : i32
    %add3A_0 = arith.addi %add3A, %arg0 : i32
    %c0_i32 = arith.constant 0 : i32
    %c0_i32_1 = arith.constant 0 : i32
    return %add3A_0, %c0_i32 : i32, i32
  }
  func.func @transform_4(%arg0: i32) -> (i32, i32) {
    %add3A = arith.constant 3 : i32
    %add3A_0 = arith.addi %add3A, %arg0 : i32
    %c0_i32 = arith.constant 0 : i32
    %c0_i32_1 = arith.constant 0 : i32
    return %add3A_0, %c0_i32 : i32, i32
  }
  func.func @transform_5(%arg0: i32) -> (i32, i32) {
    %add3A = arith.constant 4 : i32
    %add3A_0 = arith.addi %add3A, %arg0 : i32
    %c0_i32 = arith.constant 0 : i32
    %c0_i32_1 = arith.constant 0 : i32
    return %add3A_0, %c0_i32 : i32, i32
  }
  func.func @transform_6(%arg0: i32) -> (i32, i32) {
    %add3A = arith.constant 5 : i32
    %add3A_0 = arith.addi %add3A, %arg0 : i32
    %c0_i32 = arith.constant 0 : i32
    %c0_i32_1 = arith.constant 0 : i32
    return %add3A_0, %c0_i32 : i32, i32
  }
  func.func @transform_7(%arg0: i32) -> (i32, i32) {
    %add3A = arith.constant 6 : i32
    %add3A_0 = arith.addi %add3A, %arg0 : i32
    %c0_i32 = arith.constant 0 : i32
    %c0_i32_1 = arith.constant 0 : i32
    return %add3A_0, %c0_i32 : i32, i32
  }
  func.func @transform_8(%arg0: i32) -> (i32, i32) {
    %add3A = arith.constant 7 : i32
    %add3A_0 = arith.addi %add3A, %arg0 : i32
    %c0_i32 = arith.constant 0 : i32
    %c0_i32_1 = arith.constant 0 : i32
    return %add3A_0, %c0_i32 : i32, i32
  }
  func.func @transform_9(%arg0: i32) -> (i32, i32) {
    %c0_i32 = arith.constant 0 : i32
    %c0_i32_0 = arith.constant 0 : i32
    %c0_i32_1 = arith.constant 0 : i32
    return %c0_i32, %c0_i32_0 : i32, i32
  }
  func.func @transform_10(%arg0: i32) -> (i32, i32) {
    %c0_i32 = arith.constant 0 : i32
    %c0_i32_0 = arith.constant 0 : i32
    %c0_i32_1 = arith.constant 0 : i32
    return %c0_i32, %c0_i32_0 : i32, i32
  }
  func.func @transform_11(%arg0: i32) -> (i32, i32) {
    %c0_i32 = arith.constant 0 : i32
    %c0_i32_0 = arith.constant 0 : i32
    return %c0_i32, %arg0 : i32, i32
  }
}

module attributes {stable_mosaic.version = 14 : i64} {
  func.func @_proj_kernel(%arg0: i32, %arg1: memref<1x4096xf32, #tpu.memory_space<vmem>>, %arg2: memref<128x4096xf32, #tpu.memory_space<vmem>>, %arg3: memref<128x4096xf32, #tpu.memory_space<vmem>>, %arg4: memref<128x4096xf32, #tpu.memory_space<vmem>>, %arg5: memref<128x4096xf32, #tpu.memory_space<vmem>>, %arg6: memref<128x4096xf32, #tpu.memory_space<vmem>>, %arg7: memref<128x4096xf32, #tpu.memory_space<vmem>>, %arg8: memref<128x4096xf32, #tpu.memory_space<vmem>>, %arg9: memref<128x4096xf32, #tpu.memory_space<vmem>>, %arg10: memref<1x128xf32, #tpu.memory_space<vmem>>, %arg11: memref<1x128xf32, #tpu.memory_space<vmem>>, %arg12: memref<8x128xf32, #tpu.memory_space<vmem>>) attributes {dimension_semantics = [#tpu.dimension_semantics<arbitrary>], iteration_bounds = array<i64: 4>, scalar_prefetch = 0 : i64, scratch_operands = 0 : i64, tpu.core_type = #tpu.core_type<tc>, window_params = [{pipeline_mode = #tpu.pipeline_mode<synchronous>, transform_indices = @transform_0, window_bounds = array<i64: 1, 4096>}, {transform_indices = @transform_1, window_bounds = array<i64: 128, 4096>}, {transform_indices = @transform_2, window_bounds = array<i64: 128, 4096>}, {transform_indices = @transform_3, window_bounds = array<i64: 128, 4096>}, {transform_indices = @transform_4, window_bounds = array<i64: 128, 4096>}, {transform_indices = @transform_5, window_bounds = array<i64: 128, 4096>}, {transform_indices = @transform_6, window_bounds = array<i64: 128, 4096>}, {transform_indices = @transform_7, window_bounds = array<i64: 128, 4096>}, {transform_indices = @transform_8, window_bounds = array<i64: 128, 4096>}, {pipeline_mode = #tpu.pipeline_mode<synchronous>, transform_indices = @transform_9, window_bounds = array<i64: 1, 128>}, {pipeline_mode = #tpu.pipeline_mode<synchronous>, transform_indices = @transform_10, window_bounds = array<i64: 1, 128>}, {transform_indices = @transform_11, window_bounds = array<i64: 8, 128>}]} {
    %get3A = arith.constant 0 : index
    %get3A_0 = arith.constant 0 : index
    %get3A_1 = vector.load %arg1[%get3A, %get3A_0] : memref<1x4096xf32, #tpu.memory_space<vmem>>, vector<1x4096xf32>
    %get3A_2 = arith.constant 0 : index
    %get3A_3 = arith.constant 0 : index
    %get3A_4 = vector.load %arg2[%get3A_2, %get3A_3] : memref<128x4096xf32, #tpu.memory_space<vmem>>, vector<128x4096xf32>
    %dot_general3A = arith.constant dense<0.000000e+00> : vector<1x128xf32>
    %dot_general3A_5 = tpu.matmul %get3A_1, %get3A_4, %dot_general3A {dimension_numbers = #tpu.dot_dimension_numbers<[1], [1], [0], [0], [0, 0, 1, 0], [], []>, transpose_lhs_hint = false} : vector<1x4096xf32>, vector<128x4096xf32>, vector<1x128xf32> -> vector<1x128xf32>
    %slice3A = vector.extract_strided_slice %dot_general3A_5 {offsets = [0, 64], sizes = [1, 64], strides = [1, 1]} : vector<1x128xf32> to vector<1x64xf32>
    %neg3A = arith.constant 0.000000e+00 : f32
    %neg3A_6 = vector.broadcast %neg3A : f32 to vector<1x64xf32>
    %neg3A_7 = arith.subf %neg3A_6, %slice3A : vector<1x64xf32>
    %slice3A_8 = vector.extract_strided_slice %dot_general3A_5 {offsets = [0, 0], sizes = [1, 64], strides = [1, 1]} : vector<1x128xf32> to vector<1x64xf32>
    %concatenate3A = tpu.concatenate %neg3A_7, %slice3A_8 in 1 : vector<1x64xf32>, vector<1x64xf32> -> vector<1x128xf32>
    %get3A_9 = arith.constant 0 : index
    %get3A_10 = arith.constant 0 : index
    %get3A_11 = vector.load %arg10[%get3A_9, %get3A_10] : memref<1x128xf32, #tpu.memory_space<vmem>>, vector<1x128xf32>
    %get3A_12 = arith.constant 0 : index
    %get3A_13 = arith.constant 0 : index
    %get3A_14 = vector.load %arg11[%get3A_12, %get3A_13] : memref<1x128xf32, #tpu.memory_space<vmem>>, vector<1x128xf32>
    %mul3A = arith.mulf %dot_general3A_5, %get3A_11 : vector<1x128xf32>
    %mul3A_15 = arith.mulf %concatenate3A, %get3A_14 : vector<1x128xf32>
    %add3A = arith.addf %mul3A, %mul3A_15 : vector<1x128xf32>
    %swap3A = arith.constant 0 : index
    %swap3A_16 = arith.constant 0 : index
    %swap3A_17 = vector.load %arg12[%swap3A, %swap3A_16] : memref<8x128xf32, #tpu.memory_space<vmem>>, vector<1x128xf32>
    tpu.vector_store %arg12[%swap3A, %swap3A_16], %add3A {strides = array<i32>} : memref<8x128xf32, #tpu.memory_space<vmem>>, vector<1x128xf32>,
    %get3A_18 = arith.constant 0 : index
    %get3A_19 = arith.constant 0 : index
    %get3A_20 = vector.load %arg1[%get3A_18, %get3A_19] : memref<1x4096xf32, #tpu.memory_space<vmem>>, vector<1x4096xf32>
    %get3A_21 = arith.constant 0 : index
    %get3A_22 = arith.constant 0 : index
    %get3A_23 = vector.load %arg3[%get3A_21, %get3A_22] : memref<128x4096xf32, #tpu.memory_space<vmem>>, vector<128x4096xf32>
    %dot_general3A_24 = arith.constant dense<0.000000e+00> : vector<1x128xf32>
    %dot_general3A_25 = tpu.matmul %get3A_20, %get3A_23, %dot_general3A_24 {dimension_numbers = #tpu.dot_dimension_numbers<[1], [1], [0], [0], [0, 0, 1, 0], [], []>, transpose_lhs_hint = false} : vector<1x4096xf32>, vector<128x4096xf32>, vector<1x128xf32> -> vector<1x128xf32>
    %slice3A_26 = vector.extract_strided_slice %dot_general3A_25 {offsets = [0, 64], sizes = [1, 64], strides = [1, 1]} : vector<1x128xf32> to vector<1x64xf32>
    %neg3A_27 = arith.constant 0.000000e+00 : f32
    %neg3A_28 = vector.broadcast %neg3A_27 : f32 to vector<1x64xf32>
    %neg3A_29 = arith.subf %neg3A_28, %slice3A_26 : vector<1x64xf32>
    %slice3A_30 = vector.extract_strided_slice %dot_general3A_25 {offsets = [0, 0], sizes = [1, 64], strides = [1, 1]} : vector<1x128xf32> to vector<1x64xf32>
    %concatenate3A_31 = tpu.concatenate %neg3A_29, %slice3A_30 in 1 : vector<1x64xf32>, vector<1x64xf32> -> vector<1x128xf32>
    %get3A_32 = arith.constant 0 : index
    %get3A_33 = arith.constant 0 : index
    %get3A_34 = vector.load %arg10[%get3A_32, %get3A_33] : memref<1x128xf32, #tpu.memory_space<vmem>>, vector<1x128xf32>
    %get3A_35 = arith.constant 0 : index
    %get3A_36 = arith.constant 0 : index
    %get3A_37 = vector.load %arg11[%get3A_35, %get3A_36] : memref<1x128xf32, #tpu.memory_space<vmem>>, vector<1x128xf32>
    %mul3A_38 = arith.mulf %dot_general3A_25, %get3A_34 : vector<1x128xf32>
    %mul3A_39 = arith.mulf %concatenate3A_31, %get3A_37 : vector<1x128xf32>
    %add3A_40 = arith.addf %mul3A_38, %mul3A_39 : vector<1x128xf32>
    %swap3A_41 = arith.constant 1 : index
    %swap3A_42 = arith.constant 0 : index
    %swap3A_43 = vector.load %arg12[%swap3A_41, %swap3A_42] : memref<8x128xf32, #tpu.memory_space<vmem>>, vector<1x128xf32>
    tpu.vector_store %arg12[%swap3A_41, %swap3A_42], %add3A_40 {strides = array<i32>} : memref<8x128xf32, #tpu.memory_space<vmem>>, vector<1x128xf32>,
    %get3A_44 = arith.constant 0 : index
    %get3A_45 = arith.constant 0 : index
    %get3A_46 = vector.load %arg1[%get3A_44, %get3A_45] : memref<1x4096xf32, #tpu.memory_space<vmem>>, vector<1x4096xf32>
    %get3A_47 = arith.constant 0 : index
    %get3A_48 = arith.constant 0 : index
    %get3A_49 = vector.load %arg4[%get3A_47, %get3A_48] : memref<128x4096xf32, #tpu.memory_space<vmem>>, vector<128x4096xf32>
    %dot_general3A_50 = arith.constant dense<0.000000e+00> : vector<1x128xf32>
    %dot_general3A_51 = tpu.matmul %get3A_46, %get3A_49, %dot_general3A_50 {dimension_numbers = #tpu.dot_dimension_numbers<[1], [1], [0], [0], [0, 0, 1, 0], [], []>, transpose_lhs_hint = false} : vector<1x4096xf32>, vector<128x4096xf32>, vector<1x128xf32> -> vector<1x128xf32>
    %slice3A_52 = vector.extract_strided_slice %dot_general3A_51 {offsets = [0, 64], sizes = [1, 64], strides = [1, 1]} : vector<1x128xf32> to vector<1x64xf32>
    %neg3A_53 = arith.constant 0.000000e+00 : f32
    %neg3A_54 = vector.broadcast %neg3A_53 : f32 to vector<1x64xf32>
    %neg3A_55 = arith.subf %neg3A_54, %slice3A_52 : vector<1x64xf32>
    %slice3A_56 = vector.extract_strided_slice %dot_general3A_51 {offsets = [0, 0], sizes = [1, 64], strides = [1, 1]} : vector<1x128xf32> to vector<1x64xf32>
    %concatenate3A_57 = tpu.concatenate %neg3A_55, %slice3A_56 in 1 : vector<1x64xf32>, vector<1x64xf32> -> vector<1x128xf32>
    %get3A_58 = arith.constant 0 : index
    %get3A_59 = arith.constant 0 : index
    %get3A_60 = vector.load %arg10[%get3A_58, %get3A_59] : memref<1x128xf32, #tpu.memory_space<vmem>>, vector<1x128xf32>
    %get3A_61 = arith.constant 0 : index
    %get3A_62 = arith.constant 0 : index
    %get3A_63 = vector.load %arg11[%get3A_61, %get3A_62] : memref<1x128xf32, #tpu.memory_space<vmem>>, vector<1x128xf32>
    %mul3A_64 = arith.mulf %dot_general3A_51, %get3A_60 : vector<1x128xf32>
    %mul3A_65 = arith.mulf %concatenate3A_57, %get3A_63 : vector<1x128xf32>
    %add3A_66 = arith.addf %mul3A_64, %mul3A_65 : vector<1x128xf32>
    %swap3A_67 = arith.constant 2 : index
    %swap3A_68 = arith.constant 0 : index
    %swap3A_69 = vector.load %arg12[%swap3A_67, %swap3A_68] : memref<8x128xf32, #tpu.memory_space<vmem>>, vector<1x128xf32>
    tpu.vector_store %arg12[%swap3A_67, %swap3A_68], %add3A_66 {strides = array<i32>} : memref<8x128xf32, #tpu.memory_space<vmem>>, vector<1x128xf32>,
    %get3A_70 = arith.constant 0 : index
    %get3A_71 = arith.constant 0 : index
    %get3A_72 = vector.load %arg1[%get3A_70, %get3A_71] : memref<1x4096xf32, #tpu.memory_space<vmem>>, vector<1x4096xf32>
    %get3A_73 = arith.constant 0 : index
    %get3A_74 = arith.constant 0 : index
    %get3A_75 = vector.load %arg5[%get3A_73, %get3A_74] : memref<128x4096xf32, #tpu.memory_space<vmem>>, vector<128x4096xf32>
    %dot_general3A_76 = arith.constant dense<0.000000e+00> : vector<1x128xf32>
    %dot_general3A_77 = tpu.matmul %get3A_72, %get3A_75, %dot_general3A_76 {dimension_numbers = #tpu.dot_dimension_numbers<[1], [1], [0], [0], [0, 0, 1, 0], [], []>, transpose_lhs_hint = false} : vector<1x4096xf32>, vector<128x4096xf32>, vector<1x128xf32> -> vector<1x128xf32>
    %slice3A_78 = vector.extract_strided_slice %dot_general3A_77 {offsets = [0, 64], sizes = [1, 64], strides = [1, 1]} : vector<1x128xf32> to vector<1x64xf32>
    %neg3A_79 = arith.constant 0.000000e+00 : f32
    %neg3A_80 = vector.broadcast %neg3A_79 : f32 to vector<1x64xf32>
    %neg3A_81 = arith.subf %neg3A_80, %slice3A_78 : vector<1x64xf32>
    %slice3A_82 = vector.extract_strided_slice %dot_general3A_77 {offsets = [0, 0], sizes = [1, 64], strides = [1, 1]} : vector<1x128xf32> to vector<1x64xf32>
    %concatenate3A_83 = tpu.concatenate %neg3A_81, %slice3A_82 in 1 : vector<1x64xf32>, vector<1x64xf32> -> vector<1x128xf32>
    %get3A_84 = arith.constant 0 : index
    %get3A_85 = arith.constant 0 : index
    %get3A_86 = vector.load %arg10[%get3A_84, %get3A_85] : memref<1x128xf32, #tpu.memory_space<vmem>>, vector<1x128xf32>
    %get3A_87 = arith.constant 0 : index
    %get3A_88 = arith.constant 0 : index
    %get3A_89 = vector.load %arg11[%get3A_87, %get3A_88] : memref<1x128xf32, #tpu.memory_space<vmem>>, vector<1x128xf32>
    %mul3A_90 = arith.mulf %dot_general3A_77, %get3A_86 : vector<1x128xf32>
    %mul3A_91 = arith.mulf %concatenate3A_83, %get3A_89 : vector<1x128xf32>
    %add3A_92 = arith.addf %mul3A_90, %mul3A_91 : vector<1x128xf32>
    %swap3A_93 = arith.constant 3 : index
    %swap3A_94 = arith.constant 0 : index
    %swap3A_95 = vector.load %arg12[%swap3A_93, %swap3A_94] : memref<8x128xf32, #tpu.memory_space<vmem>>, vector<1x128xf32>
    tpu.vector_store %arg12[%swap3A_93, %swap3A_94], %add3A_92 {strides = array<i32>} : memref<8x128xf32, #tpu.memory_space<vmem>>, vector<1x128xf32>,
    %get3A_96 = arith.constant 0 : index
    %get3A_97 = arith.constant 0 : index
    %get3A_98 = vector.load %arg1[%get3A_96, %get3A_97] : memref<1x4096xf32, #tpu.memory_space<vmem>>, vector<1x4096xf32>
    %get3A_99 = arith.constant 0 : index
    %get3A_100 = arith.constant 0 : index
    %get3A_101 = vector.load %arg6[%get3A_99, %get3A_100] : memref<128x4096xf32, #tpu.memory_space<vmem>>, vector<128x4096xf32>
    %dot_general3A_102 = arith.constant dense<0.000000e+00> : vector<1x128xf32>
    %dot_general3A_103 = tpu.matmul %get3A_98, %get3A_101, %dot_general3A_102 {dimension_numbers = #tpu.dot_dimension_numbers<[1], [1], [0], [0], [0, 0, 1, 0], [], []>, transpose_lhs_hint = false} : vector<1x4096xf32>, vector<128x4096xf32>, vector<1x128xf32> -> vector<1x128xf32>
    %slice3A_104 = vector.extract_strided_slice %dot_general3A_103 {offsets = [0, 64], sizes = [1, 64], strides = [1, 1]} : vector<1x128xf32> to vector<1x64xf32>
    %neg3A_105 = arith.constant 0.000000e+00 : f32
    %neg3A_106 = vector.broadcast %neg3A_105 : f32 to vector<1x64xf32>
    %neg3A_107 = arith.subf %neg3A_106, %slice3A_104 : vector<1x64xf32>
    %slice3A_108 = vector.extract_strided_slice %dot_general3A_103 {offsets = [0, 0], sizes = [1, 64], strides = [1, 1]} : vector<1x128xf32> to vector<1x64xf32>
    %concatenate3A_109 = tpu.concatenate %neg3A_107, %slice3A_108 in 1 : vector<1x64xf32>, vector<1x64xf32> -> vector<1x128xf32>
    %get3A_110 = arith.constant 0 : index
    %get3A_111 = arith.constant 0 : index
    %get3A_112 = vector.load %arg10[%get3A_110, %get3A_111] : memref<1x128xf32, #tpu.memory_space<vmem>>, vector<1x128xf32>
    %get3A_113 = arith.constant 0 : index
    %get3A_114 = arith.constant 0 : index
    %get3A_115 = vector.load %arg11[%get3A_113, %get3A_114] : memref<1x128xf32, #tpu.memory_space<vmem>>, vector<1x128xf32>
    %mul3A_116 = arith.mulf %dot_general3A_103, %get3A_112 : vector<1x128xf32>
    %mul3A_117 = arith.mulf %concatenate3A_109, %get3A_115 : vector<1x128xf32>
    %add3A_118 = arith.addf %mul3A_116, %mul3A_117 : vector<1x128xf32>
    %swap3A_119 = arith.constant 4 : index
    %swap3A_120 = arith.constant 0 : index
    %swap3A_121 = vector.load %arg12[%swap3A_119, %swap3A_120] : memref<8x128xf32, #tpu.memory_space<vmem>>, vector<1x128xf32>
    tpu.vector_store %arg12[%swap3A_119, %swap3A_120], %add3A_118 {strides = array<i32>} : memref<8x128xf32, #tpu.memory_space<vmem>>, vector<1x128xf32>,
    %get3A_122 = arith.constant 0 : index
    %get3A_123 = arith.constant 0 : index
    %get3A_124 = vector.load %arg1[%get3A_122, %get3A_123] : memref<1x4096xf32, #tpu.memory_space<vmem>>, vector<1x4096xf32>
    %get3A_125 = arith.constant 0 : index
    %get3A_126 = arith.constant 0 : index
    %get3A_127 = vector.load %arg7[%get3A_125, %get3A_126] : memref<128x4096xf32, #tpu.memory_space<vmem>>, vector<128x4096xf32>
    %dot_general3A_128 = arith.constant dense<0.000000e+00> : vector<1x128xf32>
    %dot_general3A_129 = tpu.matmul %get3A_124, %get3A_127, %dot_general3A_128 {dimension_numbers = #tpu.dot_dimension_numbers<[1], [1], [0], [0], [0, 0, 1, 0], [], []>, transpose_lhs_hint = false} : vector<1x4096xf32>, vector<128x4096xf32>, vector<1x128xf32> -> vector<1x128xf32>
    %slice3A_130 = vector.extract_strided_slice %dot_general3A_129 {offsets = [0, 64], sizes = [1, 64], strides = [1, 1]} : vector<1x128xf32> to vector<1x64xf32>
    %neg3A_131 = arith.constant 0.000000e+00 : f32
    %neg3A_132 = vector.broadcast %neg3A_131 : f32 to vector<1x64xf32>
    %neg3A_133 = arith.subf %neg3A_132, %slice3A_130 : vector<1x64xf32>
    %slice3A_134 = vector.extract_strided_slice %dot_general3A_129 {offsets = [0, 0], sizes = [1, 64], strides = [1, 1]} : vector<1x128xf32> to vector<1x64xf32>
    %concatenate3A_135 = tpu.concatenate %neg3A_133, %slice3A_134 in 1 : vector<1x64xf32>, vector<1x64xf32> -> vector<1x128xf32>
    %get3A_136 = arith.constant 0 : index
    %get3A_137 = arith.constant 0 : index
    %get3A_138 = vector.load %arg10[%get3A_136, %get3A_137] : memref<1x128xf32, #tpu.memory_space<vmem>>, vector<1x128xf32>
    %get3A_139 = arith.constant 0 : index
    %get3A_140 = arith.constant 0 : index
    %get3A_141 = vector.load %arg11[%get3A_139, %get3A_140] : memref<1x128xf32, #tpu.memory_space<vmem>>, vector<1x128xf32>
    %mul3A_142 = arith.mulf %dot_general3A_129, %get3A_138 : vector<1x128xf32>
    %mul3A_143 = arith.mulf %concatenate3A_135, %get3A_141 : vector<1x128xf32>
    %add3A_144 = arith.addf %mul3A_142, %mul3A_143 : vector<1x128xf32>
    %swap3A_145 = arith.constant 5 : index
    %swap3A_146 = arith.constant 0 : index
    %swap3A_147 = vector.load %arg12[%swap3A_145, %swap3A_146] : memref<8x128xf32, #tpu.memory_space<vmem>>, vector<1x128xf32>
    tpu.vector_store %arg12[%swap3A_145, %swap3A_146], %add3A_144 {strides = array<i32>} : memref<8x128xf32, #tpu.memory_space<vmem>>, vector<1x128xf32>,
    %get3A_148 = arith.constant 0 : index
    %get3A_149 = arith.constant 0 : index
    %get3A_150 = vector.load %arg1[%get3A_148, %get3A_149] : memref<1x4096xf32, #tpu.memory_space<vmem>>, vector<1x4096xf32>
    %get3A_151 = arith.constant 0 : index
    %get3A_152 = arith.constant 0 : index
    %get3A_153 = vector.load %arg8[%get3A_151, %get3A_152] : memref<128x4096xf32, #tpu.memory_space<vmem>>, vector<128x4096xf32>
    %dot_general3A_154 = arith.constant dense<0.000000e+00> : vector<1x128xf32>
    %dot_general3A_155 = tpu.matmul %get3A_150, %get3A_153, %dot_general3A_154 {dimension_numbers = #tpu.dot_dimension_numbers<[1], [1], [0], [0], [0, 0, 1, 0], [], []>, transpose_lhs_hint = false} : vector<1x4096xf32>, vector<128x4096xf32>, vector<1x128xf32> -> vector<1x128xf32>
    %slice3A_156 = vector.extract_strided_slice %dot_general3A_155 {offsets = [0, 64], sizes = [1, 64], strides = [1, 1]} : vector<1x128xf32> to vector<1x64xf32>
    %neg3A_157 = arith.constant 0.000000e+00 : f32
    %neg3A_158 = vector.broadcast %neg3A_157 : f32 to vector<1x64xf32>
    %neg3A_159 = arith.subf %neg3A_158, %slice3A_156 : vector<1x64xf32>
    %slice3A_160 = vector.extract_strided_slice %dot_general3A_155 {offsets = [0, 0], sizes = [1, 64], strides = [1, 1]} : vector<1x128xf32> to vector<1x64xf32>
    %concatenate3A_161 = tpu.concatenate %neg3A_159, %slice3A_160 in 1 : vector<1x64xf32>, vector<1x64xf32> -> vector<1x128xf32>
    %get3A_162 = arith.constant 0 : index
    %get3A_163 = arith.constant 0 : index
    %get3A_164 = vector.load %arg10[%get3A_162, %get3A_163] : memref<1x128xf32, #tpu.memory_space<vmem>>, vector<1x128xf32>
    %get3A_165 = arith.constant 0 : index
    %get3A_166 = arith.constant 0 : index
    %get3A_167 = vector.load %arg11[%get3A_165, %get3A_166] : memref<1x128xf32, #tpu.memory_space<vmem>>, vector<1x128xf32>
    %mul3A_168 = arith.mulf %dot_general3A_155, %get3A_164 : vector<1x128xf32>
    %mul3A_169 = arith.mulf %concatenate3A_161, %get3A_167 : vector<1x128xf32>
    %add3A_170 = arith.addf %mul3A_168, %mul3A_169 : vector<1x128xf32>
    %swap3A_171 = arith.constant 6 : index
    %swap3A_172 = arith.constant 0 : index
    %swap3A_173 = vector.load %arg12[%swap3A_171, %swap3A_172] : memref<8x128xf32, #tpu.memory_space<vmem>>, vector<1x128xf32>
    tpu.vector_store %arg12[%swap3A_171, %swap3A_172], %add3A_170 {strides = array<i32>} : memref<8x128xf32, #tpu.memory_space<vmem>>, vector<1x128xf32>,
    %get3A_174 = arith.constant 0 : index
    %get3A_175 = arith.constant 0 : index
    %get3A_176 = vector.load %arg1[%get3A_174, %get3A_175] : memref<1x4096xf32, #tpu.memory_space<vmem>>, vector<1x4096xf32>
    %get3A_177 = arith.constant 0 : index
    %get3A_178 = arith.constant 0 : index
    %get3A_179 = vector.load %arg9[%get3A_177, %get3A_178] : memref<128x4096xf32, #tpu.memory_space<vmem>>, vector<128x4096xf32>
    %dot_general3A_180 = arith.constant dense<0.000000e+00> : vector<1x128xf32>
    %dot_general3A_181 = tpu.matmul %get3A_176, %get3A_179, %dot_general3A_180 {dimension_numbers = #tpu.dot_dimension_numbers<[1], [1], [0], [0], [0, 0, 1, 0], [], []>, transpose_lhs_hint = false} : vector<1x4096xf32>, vector<128x4096xf32>, vector<1x128xf32> -> vector<1x128xf32>
    %slice3A_182 = vector.extract_strided_slice %dot_general3A_181 {offsets = [0, 64], sizes = [1, 64], strides = [1, 1]} : vector<1x128xf32> to vector<1x64xf32>
    %neg3A_183 = arith.constant 0.000000e+00 : f32
    %neg3A_184 = vector.broadcast %neg3A_183 : f32 to vector<1x64xf32>
    %neg3A_185 = arith.subf %neg3A_184, %slice3A_182 : vector<1x64xf32>
    %slice3A_186 = vector.extract_strided_slice %dot_general3A_181 {offsets = [0, 0], sizes = [1, 64], strides = [1, 1]} : vector<1x128xf32> to vector<1x64xf32>
    %concatenate3A_187 = tpu.concatenate %neg3A_185, %slice3A_186 in 1 : vector<1x64xf32>, vector<1x64xf32> -> vector<1x128xf32>
    %get3A_188 = arith.constant 0 : index
    %get3A_189 = arith.constant 0 : index
    %get3A_190 = vector.load %arg10[%get3A_188, %get3A_189] : memref<1x128xf32, #tpu.memory_space<vmem>>, vector<1x128xf32>
    %get3A_191 = arith.constant 0 : index
    %get3A_192 = arith.constant 0 : index
    %get3A_193 = vector.load %arg11[%get3A_191, %get3A_192] : memref<1x128xf32, #tpu.memory_space<vmem>>, vector<1x128xf32>
    %mul3A_194 = arith.mulf %dot_general3A_181, %get3A_190 : vector<1x128xf32>
    %mul3A_195 = arith.mulf %concatenate3A_187, %get3A_193 : vector<1x128xf32>
    %add3A_196 = arith.addf %mul3A_194, %mul3A_195 : vector<1x128xf32>
    %swap3A_197 = arith.constant 7 : index
    %swap3A_198 = arith.constant 0 : index
    %swap3A_199 = vector.load %arg12[%swap3A_197, %swap3A_198] : memref<8x128xf32, #tpu.memory_space<vmem>>, vector<1x128xf32>
    tpu.vector_store %arg12[%swap3A_197, %swap3A_198], %add3A_196 {strides = array<i32>} : memref<8x128xf32, #tpu.memory_space<vmem>>, vector<1x128xf32>,
    return
  }
  func.func @transform_0(%arg0: i32) -> (i32, i32) {
    %c0_i32 = arith.constant 0 : i32
    %c0_i32_0 = arith.constant 0 : i32
    %c0_i32_1 = arith.constant 0 : i32
    return %c0_i32, %c0_i32_0 : i32, i32
  }
  func.func @transform_1(%arg0: i32) -> (i32, i32) {
    %add3A = arith.constant 0 : i32
    %add3A_0 = arith.addi %add3A, %arg0 : i32
    %c0_i32 = arith.constant 0 : i32
    %c0_i32_1 = arith.constant 0 : i32
    return %add3A_0, %c0_i32 : i32, i32
  }
  func.func @transform_2(%arg0: i32) -> (i32, i32) {
    %add3A = arith.constant 4 : i32
    %add3A_0 = arith.addi %add3A, %arg0 : i32
    %c0_i32 = arith.constant 0 : i32
    %c0_i32_1 = arith.constant 0 : i32
    return %add3A_0, %c0_i32 : i32, i32
  }
  func.func @transform_3(%arg0: i32) -> (i32, i32) {
    %add3A = arith.constant 8 : i32
    %add3A_0 = arith.addi %add3A, %arg0 : i32
    %c0_i32 = arith.constant 0 : i32
    %c0_i32_1 = arith.constant 0 : i32
    return %add3A_0, %c0_i32 : i32, i32
  }
  func.func @transform_4(%arg0: i32) -> (i32, i32) {
    %add3A = arith.constant 12 : i32
    %add3A_0 = arith.addi %add3A, %arg0 : i32
    %c0_i32 = arith.constant 0 : i32
    %c0_i32_1 = arith.constant 0 : i32
    return %add3A_0, %c0_i32 : i32, i32
  }
  func.func @transform_5(%arg0: i32) -> (i32, i32) {
    %add3A = arith.constant 16 : i32
    %add3A_0 = arith.addi %add3A, %arg0 : i32
    %c0_i32 = arith.constant 0 : i32
    %c0_i32_1 = arith.constant 0 : i32
    return %add3A_0, %c0_i32 : i32, i32
  }
  func.func @transform_6(%arg0: i32) -> (i32, i32) {
    %add3A = arith.constant 20 : i32
    %add3A_0 = arith.addi %add3A, %arg0 : i32
    %c0_i32 = arith.constant 0 : i32
    %c0_i32_1 = arith.constant 0 : i32
    return %add3A_0, %c0_i32 : i32, i32
  }
  func.func @transform_7(%arg0: i32) -> (i32, i32) {
    %add3A = arith.constant 24 : i32
    %add3A_0 = arith.addi %add3A, %arg0 : i32
    %c0_i32 = arith.constant 0 : i32
    %c0_i32_1 = arith.constant 0 : i32
    return %add3A_0, %c0_i32 : i32, i32
  }
  func.func @transform_8(%arg0: i32) -> (i32, i32) {
    %add3A = arith.constant 28 : i32
    %add3A_0 = arith.addi %add3A, %arg0 : i32
    %c0_i32 = arith.constant 0 : i32
    %c0_i32_1 = arith.constant 0 : i32
    return %add3A_0, %c0_i32 : i32, i32
  }
  func.func @transform_9(%arg0: i32) -> (i32, i32) {
    %c0_i32 = arith.constant 0 : i32
    %c0_i32_0 = arith.constant 0 : i32
    %c0_i32_1 = arith.constant 0 : i32
    return %c0_i32, %c0_i32_0 : i32, i32
  }
  func.func @transform_10(%arg0: i32) -> (i32, i32) {
    %c0_i32 = arith.constant 0 : i32
    %c0_i32_0 = arith.constant 0 : i32
    %c0_i32_1 = arith.constant 0 : i32
    return %c0_i32, %c0_i32_0 : i32, i32
  }
  func.func @transform_11(%arg0: i32) -> (i32, i32) {
    %c0_i32 = arith.constant 0 : i32
    %c0_i32_0 = arith.constant 0 : i32
    return %c0_i32, %arg0 : i32, i32
  }
}

module attributes {stable_mosaic.version = 14 : i64} {
  func.func @_proj_kernel(%arg0: i32, %arg1: memref<1x4096xf32, #tpu.memory_space<vmem>>, %arg2: memref<128x4096xf32, #tpu.memory_space<vmem>>, %arg3: memref<128x4096xf32, #tpu.memory_space<vmem>>, %arg4: memref<128x4096xf32, #tpu.memory_space<vmem>>, %arg5: memref<128x4096xf32, #tpu.memory_space<vmem>>, %arg6: memref<128x4096xf32, #tpu.memory_space<vmem>>, %arg7: memref<128x4096xf32, #tpu.memory_space<vmem>>, %arg8: memref<128x4096xf32, #tpu.memory_space<vmem>>, %arg9: memref<128x4096xf32, #tpu.memory_space<vmem>>, %arg10: memref<1x128xf32, #tpu.memory_space<vmem>>, %arg11: memref<1x128xf32, #tpu.memory_space<vmem>>, %arg12: memref<8x128xf32, #tpu.memory_space<vmem>>) attributes {dimension_semantics = [#tpu.dimension_semantics<arbitrary>], iteration_bounds = array<i64: 1>, scalar_prefetch = 0 : i64, scratch_operands = 0 : i64, tpu.core_type = #tpu.core_type<tc>, window_params = [{pipeline_mode = #tpu.pipeline_mode<synchronous>, transform_indices = @transform_0, window_bounds = array<i64: 1, 4096>}, {transform_indices = @transform_1, window_bounds = array<i64: 128, 4096>}, {transform_indices = @transform_2, window_bounds = array<i64: 128, 4096>}, {transform_indices = @transform_3, window_bounds = array<i64: 128, 4096>}, {transform_indices = @transform_4, window_bounds = array<i64: 128, 4096>}, {transform_indices = @transform_5, window_bounds = array<i64: 128, 4096>}, {transform_indices = @transform_6, window_bounds = array<i64: 128, 4096>}, {transform_indices = @transform_7, window_bounds = array<i64: 128, 4096>}, {transform_indices = @transform_8, window_bounds = array<i64: 128, 4096>}, {pipeline_mode = #tpu.pipeline_mode<synchronous>, transform_indices = @transform_9, window_bounds = array<i64: 1, 128>}, {pipeline_mode = #tpu.pipeline_mode<synchronous>, transform_indices = @transform_10, window_bounds = array<i64: 1, 128>}, {transform_indices = @transform_11, window_bounds = array<i64: 8, 128>}]} {
    %get3A = arith.constant 0 : index
    %get3A_0 = arith.constant 0 : index
    %get3A_1 = vector.load %arg1[%get3A, %get3A_0] : memref<1x4096xf32, #tpu.memory_space<vmem>>, vector<1x4096xf32>
    %get3A_2 = arith.constant 0 : index
    %get3A_3 = arith.constant 0 : index
    %get3A_4 = vector.load %arg2[%get3A_2, %get3A_3] : memref<128x4096xf32, #tpu.memory_space<vmem>>, vector<128x4096xf32>
    %dot_general3A = arith.constant dense<0.000000e+00> : vector<1x128xf32>
    %dot_general3A_5 = tpu.matmul %get3A_1, %get3A_4, %dot_general3A {dimension_numbers = #tpu.dot_dimension_numbers<[1], [1], [0], [0], [0, 0, 1, 0], [], []>, transpose_lhs_hint = false} : vector<1x4096xf32>, vector<128x4096xf32>, vector<1x128xf32> -> vector<1x128xf32>
    %swap3A = arith.constant 0 : index
    %swap3A_6 = arith.constant 0 : index
    %swap3A_7 = vector.load %arg12[%swap3A, %swap3A_6] : memref<8x128xf32, #tpu.memory_space<vmem>>, vector<1x128xf32>
    tpu.vector_store %arg12[%swap3A, %swap3A_6], %dot_general3A_5 {strides = array<i32>} : memref<8x128xf32, #tpu.memory_space<vmem>>, vector<1x128xf32>,
    %get3A_8 = arith.constant 0 : index
    %get3A_9 = arith.constant 0 : index
    %get3A_10 = vector.load %arg1[%get3A_8, %get3A_9] : memref<1x4096xf32, #tpu.memory_space<vmem>>, vector<1x4096xf32>
    %get3A_11 = arith.constant 0 : index
    %get3A_12 = arith.constant 0 : index
    %get3A_13 = vector.load %arg3[%get3A_11, %get3A_12] : memref<128x4096xf32, #tpu.memory_space<vmem>>, vector<128x4096xf32>
    %dot_general3A_14 = arith.constant dense<0.000000e+00> : vector<1x128xf32>
    %dot_general3A_15 = tpu.matmul %get3A_10, %get3A_13, %dot_general3A_14 {dimension_numbers = #tpu.dot_dimension_numbers<[1], [1], [0], [0], [0, 0, 1, 0], [], []>, transpose_lhs_hint = false} : vector<1x4096xf32>, vector<128x4096xf32>, vector<1x128xf32> -> vector<1x128xf32>
    %swap3A_16 = arith.constant 1 : index
    %swap3A_17 = arith.constant 0 : index
    %swap3A_18 = vector.load %arg12[%swap3A_16, %swap3A_17] : memref<8x128xf32, #tpu.memory_space<vmem>>, vector<1x128xf32>
    tpu.vector_store %arg12[%swap3A_16, %swap3A_17], %dot_general3A_15 {strides = array<i32>} : memref<8x128xf32, #tpu.memory_space<vmem>>, vector<1x128xf32>,
    %get3A_19 = arith.constant 0 : index
    %get3A_20 = arith.constant 0 : index
    %get3A_21 = vector.load %arg1[%get3A_19, %get3A_20] : memref<1x4096xf32, #tpu.memory_space<vmem>>, vector<1x4096xf32>
    %get3A_22 = arith.constant 0 : index
    %get3A_23 = arith.constant 0 : index
    %get3A_24 = vector.load %arg4[%get3A_22, %get3A_23] : memref<128x4096xf32, #tpu.memory_space<vmem>>, vector<128x4096xf32>
    %dot_general3A_25 = arith.constant dense<0.000000e+00> : vector<1x128xf32>
    %dot_general3A_26 = tpu.matmul %get3A_21, %get3A_24, %dot_general3A_25 {dimension_numbers = #tpu.dot_dimension_numbers<[1], [1], [0], [0], [0, 0, 1, 0], [], []>, transpose_lhs_hint = false} : vector<1x4096xf32>, vector<128x4096xf32>, vector<1x128xf32> -> vector<1x128xf32>
    %swap3A_27 = arith.constant 2 : index
    %swap3A_28 = arith.constant 0 : index
    %swap3A_29 = vector.load %arg12[%swap3A_27, %swap3A_28] : memref<8x128xf32, #tpu.memory_space<vmem>>, vector<1x128xf32>
    tpu.vector_store %arg12[%swap3A_27, %swap3A_28], %dot_general3A_26 {strides = array<i32>} : memref<8x128xf32, #tpu.memory_space<vmem>>, vector<1x128xf32>,
    %get3A_30 = arith.constant 0 : index
    %get3A_31 = arith.constant 0 : index
    %get3A_32 = vector.load %arg1[%get3A_30, %get3A_31] : memref<1x4096xf32, #tpu.memory_space<vmem>>, vector<1x4096xf32>
    %get3A_33 = arith.constant 0 : index
    %get3A_34 = arith.constant 0 : index
    %get3A_35 = vector.load %arg5[%get3A_33, %get3A_34] : memref<128x4096xf32, #tpu.memory_space<vmem>>, vector<128x4096xf32>
    %dot_general3A_36 = arith.constant dense<0.000000e+00> : vector<1x128xf32>
    %dot_general3A_37 = tpu.matmul %get3A_32, %get3A_35, %dot_general3A_36 {dimension_numbers = #tpu.dot_dimension_numbers<[1], [1], [0], [0], [0, 0, 1, 0], [], []>, transpose_lhs_hint = false} : vector<1x4096xf32>, vector<128x4096xf32>, vector<1x128xf32> -> vector<1x128xf32>
    %swap3A_38 = arith.constant 3 : index
    %swap3A_39 = arith.constant 0 : index
    %swap3A_40 = vector.load %arg12[%swap3A_38, %swap3A_39] : memref<8x128xf32, #tpu.memory_space<vmem>>, vector<1x128xf32>
    tpu.vector_store %arg12[%swap3A_38, %swap3A_39], %dot_general3A_37 {strides = array<i32>} : memref<8x128xf32, #tpu.memory_space<vmem>>, vector<1x128xf32>,
    %get3A_41 = arith.constant 0 : index
    %get3A_42 = arith.constant 0 : index
    %get3A_43 = vector.load %arg1[%get3A_41, %get3A_42] : memref<1x4096xf32, #tpu.memory_space<vmem>>, vector<1x4096xf32>
    %get3A_44 = arith.constant 0 : index
    %get3A_45 = arith.constant 0 : index
    %get3A_46 = vector.load %arg6[%get3A_44, %get3A_45] : memref<128x4096xf32, #tpu.memory_space<vmem>>, vector<128x4096xf32>
    %dot_general3A_47 = arith.constant dense<0.000000e+00> : vector<1x128xf32>
    %dot_general3A_48 = tpu.matmul %get3A_43, %get3A_46, %dot_general3A_47 {dimension_numbers = #tpu.dot_dimension_numbers<[1], [1], [0], [0], [0, 0, 1, 0], [], []>, transpose_lhs_hint = false} : vector<1x4096xf32>, vector<128x4096xf32>, vector<1x128xf32> -> vector<1x128xf32>
    %swap3A_49 = arith.constant 4 : index
    %swap3A_50 = arith.constant 0 : index
    %swap3A_51 = vector.load %arg12[%swap3A_49, %swap3A_50] : memref<8x128xf32, #tpu.memory_space<vmem>>, vector<1x128xf32>
    tpu.vector_store %arg12[%swap3A_49, %swap3A_50], %dot_general3A_48 {strides = array<i32>} : memref<8x128xf32, #tpu.memory_space<vmem>>, vector<1x128xf32>,
    %get3A_52 = arith.constant 0 : index
    %get3A_53 = arith.constant 0 : index
    %get3A_54 = vector.load %arg1[%get3A_52, %get3A_53] : memref<1x4096xf32, #tpu.memory_space<vmem>>, vector<1x4096xf32>
    %get3A_55 = arith.constant 0 : index
    %get3A_56 = arith.constant 0 : index
    %get3A_57 = vector.load %arg7[%get3A_55, %get3A_56] : memref<128x4096xf32, #tpu.memory_space<vmem>>, vector<128x4096xf32>
    %dot_general3A_58 = arith.constant dense<0.000000e+00> : vector<1x128xf32>
    %dot_general3A_59 = tpu.matmul %get3A_54, %get3A_57, %dot_general3A_58 {dimension_numbers = #tpu.dot_dimension_numbers<[1], [1], [0], [0], [0, 0, 1, 0], [], []>, transpose_lhs_hint = false} : vector<1x4096xf32>, vector<128x4096xf32>, vector<1x128xf32> -> vector<1x128xf32>
    %swap3A_60 = arith.constant 5 : index
    %swap3A_61 = arith.constant 0 : index
    %swap3A_62 = vector.load %arg12[%swap3A_60, %swap3A_61] : memref<8x128xf32, #tpu.memory_space<vmem>>, vector<1x128xf32>
    tpu.vector_store %arg12[%swap3A_60, %swap3A_61], %dot_general3A_59 {strides = array<i32>} : memref<8x128xf32, #tpu.memory_space<vmem>>, vector<1x128xf32>,
    %get3A_63 = arith.constant 0 : index
    %get3A_64 = arith.constant 0 : index
    %get3A_65 = vector.load %arg1[%get3A_63, %get3A_64] : memref<1x4096xf32, #tpu.memory_space<vmem>>, vector<1x4096xf32>
    %get3A_66 = arith.constant 0 : index
    %get3A_67 = arith.constant 0 : index
    %get3A_68 = vector.load %arg8[%get3A_66, %get3A_67] : memref<128x4096xf32, #tpu.memory_space<vmem>>, vector<128x4096xf32>
    %dot_general3A_69 = arith.constant dense<0.000000e+00> : vector<1x128xf32>
    %dot_general3A_70 = tpu.matmul %get3A_65, %get3A_68, %dot_general3A_69 {dimension_numbers = #tpu.dot_dimension_numbers<[1], [1], [0], [0], [0, 0, 1, 0], [], []>, transpose_lhs_hint = false} : vector<1x4096xf32>, vector<128x4096xf32>, vector<1x128xf32> -> vector<1x128xf32>
    %swap3A_71 = arith.constant 6 : index
    %swap3A_72 = arith.constant 0 : index
    %swap3A_73 = vector.load %arg12[%swap3A_71, %swap3A_72] : memref<8x128xf32, #tpu.memory_space<vmem>>, vector<1x128xf32>
    tpu.vector_store %arg12[%swap3A_71, %swap3A_72], %dot_general3A_70 {strides = array<i32>} : memref<8x128xf32, #tpu.memory_space<vmem>>, vector<1x128xf32>,
    %get3A_74 = arith.constant 0 : index
    %get3A_75 = arith.constant 0 : index
    %get3A_76 = vector.load %arg1[%get3A_74, %get3A_75] : memref<1x4096xf32, #tpu.memory_space<vmem>>, vector<1x4096xf32>
    %get3A_77 = arith.constant 0 : index
    %get3A_78 = arith.constant 0 : index
    %get3A_79 = vector.load %arg9[%get3A_77, %get3A_78] : memref<128x4096xf32, #tpu.memory_space<vmem>>, vector<128x4096xf32>
    %dot_general3A_80 = arith.constant dense<0.000000e+00> : vector<1x128xf32>
    %dot_general3A_81 = tpu.matmul %get3A_76, %get3A_79, %dot_general3A_80 {dimension_numbers = #tpu.dot_dimension_numbers<[1], [1], [0], [0], [0, 0, 1, 0], [], []>, transpose_lhs_hint = false} : vector<1x4096xf32>, vector<128x4096xf32>, vector<1x128xf32> -> vector<1x128xf32>
    %swap3A_82 = arith.constant 7 : index
    %swap3A_83 = arith.constant 0 : index
    %swap3A_84 = vector.load %arg12[%swap3A_82, %swap3A_83] : memref<8x128xf32, #tpu.memory_space<vmem>>, vector<1x128xf32>
    tpu.vector_store %arg12[%swap3A_82, %swap3A_83], %dot_general3A_81 {strides = array<i32>} : memref<8x128xf32, #tpu.memory_space<vmem>>, vector<1x128xf32>,
    return
  }
  func.func @transform_0(%arg0: i32) -> (i32, i32) {
    %c0_i32 = arith.constant 0 : i32
    %c0_i32_0 = arith.constant 0 : i32
    %c0_i32_1 = arith.constant 0 : i32
    return %c0_i32, %c0_i32_0 : i32, i32
  }
  func.func @transform_1(%arg0: i32) -> (i32, i32) {
    %add3A = arith.constant 0 : i32
    %add3A_0 = arith.addi %add3A, %arg0 : i32
    %c0_i32 = arith.constant 0 : i32
    %c0_i32_1 = arith.constant 0 : i32
    return %add3A_0, %c0_i32 : i32, i32
  }
  func.func @transform_2(%arg0: i32) -> (i32, i32) {
    %add3A = arith.constant 1 : i32
    %add3A_0 = arith.addi %add3A, %arg0 : i32
    %c0_i32 = arith.constant 0 : i32
    %c0_i32_1 = arith.constant 0 : i32
    return %add3A_0, %c0_i32 : i32, i32
  }
  func.func @transform_3(%arg0: i32) -> (i32, i32) {
    %add3A = arith.constant 2 : i32
    %add3A_0 = arith.addi %add3A, %arg0 : i32
    %c0_i32 = arith.constant 0 : i32
    %c0_i32_1 = arith.constant 0 : i32
    return %add3A_0, %c0_i32 : i32, i32
  }
  func.func @transform_4(%arg0: i32) -> (i32, i32) {
    %add3A = arith.constant 3 : i32
    %add3A_0 = arith.addi %add3A, %arg0 : i32
    %c0_i32 = arith.constant 0 : i32
    %c0_i32_1 = arith.constant 0 : i32
    return %add3A_0, %c0_i32 : i32, i32
  }
  func.func @transform_5(%arg0: i32) -> (i32, i32) {
    %add3A = arith.constant 4 : i32
    %add3A_0 = arith.addi %add3A, %arg0 : i32
    %c0_i32 = arith.constant 0 : i32
    %c0_i32_1 = arith.constant 0 : i32
    return %add3A_0, %c0_i32 : i32, i32
  }
  func.func @transform_6(%arg0: i32) -> (i32, i32) {
    %add3A = arith.constant 5 : i32
    %add3A_0 = arith.addi %add3A, %arg0 : i32
    %c0_i32 = arith.constant 0 : i32
    %c0_i32_1 = arith.constant 0 : i32
    return %add3A_0, %c0_i32 : i32, i32
  }
  func.func @transform_7(%arg0: i32) -> (i32, i32) {
    %add3A = arith.constant 6 : i32
    %add3A_0 = arith.addi %add3A, %arg0 : i32
    %c0_i32 = arith.constant 0 : i32
    %c0_i32_1 = arith.constant 0 : i32
    return %add3A_0, %c0_i32 : i32, i32
  }
  func.func @transform_8(%arg0: i32) -> (i32, i32) {
    %add3A = arith.constant 7 : i32
    %add3A_0 = arith.addi %add3A, %arg0 : i32
    %c0_i32 = arith.constant 0 : i32
    %c0_i32_1 = arith.constant 0 : i32
    return %add3A_0, %c0_i32 : i32, i32
  }
  func.func @transform_9(%arg0: i32) -> (i32, i32) {
    %c0_i32 = arith.constant 0 : i32
    %c0_i32_0 = arith.constant 0 : i32
    %c0_i32_1 = arith.constant 0 : i32
    return %c0_i32, %c0_i32_0 : i32, i32
  }
  func.func @transform_10(%arg0: i32) -> (i32, i32) {
    %c0_i32 = arith.constant 0 : i32
    %c0_i32_0 = arith.constant 0 : i32
    %c0_i32_1 = arith.constant 0 : i32
    return %c0_i32, %c0_i32_0 : i32, i32
  }
  func.func @transform_11(%arg0: i32) -> (i32, i32) {
    %c0_i32 = arith.constant 0 : i32
    %c0_i32_0 = arith.constant 0 : i32
    return %c0_i32, %arg0 : i32, i32
  }
}

module attributes {stable_mosaic.version = 14 : i64} {
  func.func @_attn_kernel(%arg0: i32, %arg1: memref<256xi32, #tpu.memory_space<smem>>, %arg2: memref<1xi32, #tpu.memory_space<smem>>, %arg3: memref<256xi32, #tpu.memory_space<smem>>, %arg4: memref<32x128xf32, #tpu.memory_space<vmem>>, %arg5: memref<8x128xf32, #tpu.memory_space<vmem>>, %arg6: memref<8x128xf32, #tpu.memory_space<vmem>>, %arg7: memref<1x16x8x128xf32, #tpu.memory_space<vmem>>, %arg8: memref<1x16x8x128xf32, #tpu.memory_space<vmem>>, %arg9: memref<1x16x8x128xf32, #tpu.memory_space<vmem>>, %arg10: memref<1x16x8x128xf32, #tpu.memory_space<vmem>>, %arg11: memref<1x16x8x128xf32, #tpu.memory_space<vmem>>, %arg12: memref<1x16x8x128xf32, #tpu.memory_space<vmem>>, %arg13: memref<1x16x8x128xf32, #tpu.memory_space<vmem>>, %arg14: memref<1x16x8x128xf32, #tpu.memory_space<vmem>>, %arg15: memref<1x16x8x128xf32, #tpu.memory_space<vmem>>, %arg16: memref<1x16x8x128xf32, #tpu.memory_space<vmem>>, %arg17: memref<1x16x8x128xf32, #tpu.memory_space<vmem>>, %arg18: memref<1x16x8x128xf32, #tpu.memory_space<vmem>>, %arg19: memref<1x16x8x128xf32, #tpu.memory_space<vmem>>, %arg20: memref<1x16x8x128xf32, #tpu.memory_space<vmem>>, %arg21: memref<1x16x8x128xf32, #tpu.memory_space<vmem>>, %arg22: memref<1x16x8x128xf32, #tpu.memory_space<vmem>>, %arg23: memref<32x128xf32, #tpu.memory_space<vmem>>, %arg24: memref<32x128xf32, #tpu.memory_space<vmem>>, %arg25: memref<32x128xf32, #tpu.memory_space<vmem>>, %arg26: memref<32x128xf32, #tpu.memory_space<vmem>>) attributes {dimension_semantics = [#tpu.dimension_semantics<arbitrary>], iteration_bounds = array<i64: 32>, scalar_prefetch = 3 : i64, scratch_operands = 3 : i64, tpu.core_type = #tpu.core_type<tc>, window_params = [{pipeline_mode = #tpu.pipeline_mode<synchronous>, transform_indices = @transform_0, window_bounds = array<i64: 32, 128>}, {pipeline_mode = #tpu.pipeline_mode<synchronous>, transform_indices = @transform_1, window_bounds = array<i64: 8, 128>}, {pipeline_mode = #tpu.pipeline_mode<synchronous>, transform_indices = @transform_2, window_bounds = array<i64: 8, 128>}, {transform_indices = @transform_3, window_bounds = array<i64: 1, 16, 8, 128>}, {transform_indices = @transform_4, window_bounds = array<i64: 1, 16, 8, 128>}, {transform_indices = @transform_5, window_bounds = array<i64: 1, 16, 8, 128>}, {transform_indices = @transform_6, window_bounds = array<i64: 1, 16, 8, 128>}, {transform_indices = @transform_7, window_bounds = array<i64: 1, 16, 8, 128>}, {transform_indices = @transform_8, window_bounds = array<i64: 1, 16, 8, 128>}, {transform_indices = @transform_9, window_bounds = array<i64: 1, 16, 8, 128>}, {transform_indices = @transform_10, window_bounds = array<i64: 1, 16, 8, 128>}, {transform_indices = @transform_11, window_bounds = array<i64: 1, 16, 8, 128>}, {transform_indices = @transform_12, window_bounds = array<i64: 1, 16, 8, 128>}, {transform_indices = @transform_13, window_bounds = array<i64: 1, 16, 8, 128>}, {transform_indices = @transform_14, window_bounds = array<i64: 1, 16, 8, 128>}, {transform_indices = @transform_15, window_bounds = array<i64: 1, 16, 8, 128>}, {transform_indices = @transform_16, window_bounds = array<i64: 1, 16, 8, 128>}, {transform_indices = @transform_17, window_bounds = array<i64: 1, 16, 8, 128>}, {transform_indices = @transform_18, window_bounds = array<i64: 1, 16, 8, 128>}, {pipeline_mode = #tpu.pipeline_mode<synchronous>, transform_indices = @transform_19, window_bounds = array<i64: 32, 128>}]} {
    %get3A = arith.constant 0 : index
    %get3A_0 = memref.load %arg2[%get3A] : memref<1xi32, #tpu.memory_space<smem>>
    %eq3A = arith.constant 0 : i32
    %eq3A_1 = arith.cmpi eq, %arg0, %eq3A : i32
    %convert_element_type3A = arith.extui %eq3A_1 : i1 to i32
    %cond3A = arith.constant 0 : i32
    %cond3A_2 = arith.cmpi ne, %convert_element_type3A, %cond3A : i32
    scf.if %cond3A_2 {
      %broadcast_in_dim3A_397 = arith.constant -1.000000e+30 : f32
      %broadcast_in_dim3A_398 = vector.broadcast %broadcast_in_dim3A_397 : f32 to vector<32x128xf32>
      %swap3A_399 = arith.constant 0 : index
      %swap3A_400 = arith.constant 0 : index
      %swap3A_401 = vector.load %arg24[%swap3A_399, %swap3A_400] : memref<32x128xf32, #tpu.memory_space<vmem>>, vector<32x128xf32>
      tpu.vector_store %arg24[%swap3A_399, %swap3A_400], %broadcast_in_dim3A_398 {strides = array<i32>} : memref<32x128xf32, #tpu.memory_space<vmem>>, vector<32x128xf32>,
      %broadcast_in_dim3A_402 = arith.constant 0.000000e+00 : f32
      %broadcast_in_dim3A_403 = vector.broadcast %broadcast_in_dim3A_402 : f32 to vector<32x128xf32>
      %swap3A_404 = arith.constant 0 : index
      %swap3A_405 = arith.constant 0 : index
      %swap3A_406 = vector.load %arg25[%swap3A_404, %swap3A_405] : memref<32x128xf32, #tpu.memory_space<vmem>>, vector<32x128xf32>
      tpu.vector_store %arg25[%swap3A_404, %swap3A_405], %broadcast_in_dim3A_403 {strides = array<i32>} : memref<32x128xf32, #tpu.memory_space<vmem>>, vector<32x128xf32>,
      %broadcast_in_dim3A_407 = arith.constant 0.000000e+00 : f32
      %broadcast_in_dim3A_408 = vector.broadcast %broadcast_in_dim3A_407 : f32 to vector<32x128xf32>
      %swap3A_409 = arith.constant 0 : index
      %swap3A_410 = arith.constant 0 : index
      %swap3A_411 = vector.load %arg26[%swap3A_409, %swap3A_410] : memref<32x128xf32, #tpu.memory_space<vmem>>, vector<32x128xf32>
      tpu.vector_store %arg26[%swap3A_409, %swap3A_410], %broadcast_in_dim3A_408 {strides = array<i32>} : memref<32x128xf32, #tpu.memory_space<vmem>>, vector<32x128xf32>,
    } else {
    }
    %get3A_3 = arith.constant 0 : index
    %get3A_4 = arith.constant 0 : index
    %get3A_5 = vector.load %arg5[%get3A_3, %get3A_4] : memref<8x128xf32, #tpu.memory_space<vmem>>, vector<8x128xf32>
    %get3A_6 = arith.constant 0 : index
    %get3A_7 = arith.constant 0 : index
    %get3A_8 = vector.load %arg6[%get3A_6, %get3A_7] : memref<8x128xf32, #tpu.memory_space<vmem>>, vector<8x128xf32>
    %iota3A = tpu.iota {dimensions = array<i32: 0>} : vector<16x8x128xi32>
    %mul3A = arith.constant 8 : i32
    %mul3A_9 = arith.muli %arg0, %mul3A : i32
    %add3A = arith.constant 0 : i32
    %add3A_10 = arith.addi %mul3A_9, %add3A : i32
    %get3A_11 = arith.index_cast %add3A_10 : i32 to index
    %get3A_12 = memref.load %arg3[%get3A_11] : memref<256xi32, #tpu.memory_space<smem>>
    %eq3A_13 = vector.broadcast %get3A_0 : i32 to vector<16x8x128xi32>
    %eq3A_14 = arith.cmpi eq, %iota3A, %eq3A_13 : vector<16x8x128xi32>
    %eq3A_15 = arith.constant 1 : i32
    %eq3A_16 = arith.cmpi eq, %get3A_12, %eq3A_15 : i32
    %and3A = vector.broadcast %eq3A_16 : i1 to vector<16x8x128xi1>
    %and3A_17 = arith.andi %eq3A_14, %and3A : vector<16x8x128xi1>
    %broadcast_in_dim3A = vector.shape_cast %get3A_5 : vector<8x128xf32> to vector<1x8x128xf32>
    %get3A_18 = arith.constant 0 : index
    %get3A_19 = arith.constant 0 : index
    %get3A_20 = arith.constant 0 : index
    %get3A_21 = arith.constant 0 : index
    %get3A_22 = vector.load %arg7[%get3A_18, %get3A_19, %get3A_20, %get3A_21] : memref<1x16x8x128xf32, #tpu.memory_space<vmem>>, vector<1x16x8x128xf32>
    %get3A_23 = vector.shape_cast %get3A_22 : vector<1x16x8x128xf32> to vector<16x8x128xf32>
    %broadcast_in_dim3A_24 = vector.shape_cast %broadcast_in_dim3A : vector<1x8x128xf32> to vector<1x8x128xf32>
    %broadcast_in_dim3A_25 = vector.broadcast %broadcast_in_dim3A_24 : vector<1x8x128xf32> to vector<16x8x128xf32>
    %select_n3A = arith.select %and3A_17, %broadcast_in_dim3A_25, %get3A_23 : vector<16x8x128xi1>, vector<16x8x128xf32>
    %broadcast_in_dim3A_26 = vector.shape_cast %get3A_8 : vector<8x128xf32> to vector<1x8x128xf32>
    %get3A_27 = arith.constant 0 : index
    %get3A_28 = arith.constant 0 : index
    %get3A_29 = arith.constant 0 : index
    %get3A_30 = arith.constant 0 : index
    %get3A_31 = vector.load %arg15[%get3A_27, %get3A_28, %get3A_29, %get3A_30] : memref<1x16x8x128xf32, #tpu.memory_space<vmem>>, vector<1x16x8x128xf32>
    %get3A_32 = vector.shape_cast %get3A_31 : vector<1x16x8x128xf32> to vector<16x8x128xf32>
    %broadcast_in_dim3A_33 = vector.shape_cast %broadcast_in_dim3A_26 : vector<1x8x128xf32> to vector<1x8x128xf32>
    %broadcast_in_dim3A_34 = vector.broadcast %broadcast_in_dim3A_33 : vector<1x8x128xf32> to vector<16x8x128xf32>
    %select_n3A_35 = arith.select %and3A_17, %broadcast_in_dim3A_34, %get3A_32 : vector<16x8x128xi1>, vector<16x8x128xf32>
    %mul3A_36 = arith.constant 8 : i32
    %mul3A_37 = arith.muli %arg0, %mul3A_36 : i32
    %add3A_38 = arith.constant 1 : i32
    %add3A_39 = arith.addi %mul3A_37, %add3A_38 : i32
    %get3A_40 = arith.index_cast %add3A_39 : i32 to index
    %get3A_41 = memref.load %arg3[%get3A_40] : memref<256xi32, #tpu.memory_space<smem>>
    %eq3A_42 = vector.broadcast %get3A_0 : i32 to vector<16x8x128xi32>
    %eq3A_43 = arith.cmpi eq, %iota3A, %eq3A_42 : vector<16x8x128xi32>
    %eq3A_44 = arith.constant 1 : i32
    %eq3A_45 = arith.cmpi eq, %get3A_41, %eq3A_44 : i32
    %and3A_46 = vector.broadcast %eq3A_45 : i1 to vector<16x8x128xi1>
    %and3A_47 = arith.andi %eq3A_43, %and3A_46 : vector<16x8x128xi1>
    %broadcast_in_dim3A_48 = vector.shape_cast %get3A_5 : vector<8x128xf32> to vector<1x8x128xf32>
    %get3A_49 = arith.constant 0 : index
    %get3A_50 = arith.constant 0 : index
    %get3A_51 = arith.constant 0 : index
    %get3A_52 = arith.constant 0 : index
    %get3A_53 = vector.load %arg8[%get3A_49, %get3A_50, %get3A_51, %get3A_52] : memref<1x16x8x128xf32, #tpu.memory_space<vmem>>, vector<1x16x8x128xf32>
    %get3A_54 = vector.shape_cast %get3A_53 : vector<1x16x8x128xf32> to vector<16x8x128xf32>
    %broadcast_in_dim3A_55 = vector.shape_cast %broadcast_in_dim3A_48 : vector<1x8x128xf32> to vector<1x8x128xf32>
    %broadcast_in_dim3A_56 = vector.broadcast %broadcast_in_dim3A_55 : vector<1x8x128xf32> to vector<16x8x128xf32>
    %select_n3A_57 = arith.select %and3A_47, %broadcast_in_dim3A_56, %get3A_54 : vector<16x8x128xi1>, vector<16x8x128xf32>
    %broadcast_in_dim3A_58 = vector.shape_cast %get3A_8 : vector<8x128xf32> to vector<1x8x128xf32>
    %get3A_59 = arith.constant 0 : index
    %get3A_60 = arith.constant 0 : index
    %get3A_61 = arith.constant 0 : index
    %get3A_62 = arith.constant 0 : index
    %get3A_63 = vector.load %arg16[%get3A_59, %get3A_60, %get3A_61, %get3A_62] : memref<1x16x8x128xf32, #tpu.memory_space<vmem>>, vector<1x16x8x128xf32>
    %get3A_64 = vector.shape_cast %get3A_63 : vector<1x16x8x128xf32> to vector<16x8x128xf32>
    %broadcast_in_dim3A_65 = vector.shape_cast %broadcast_in_dim3A_58 : vector<1x8x128xf32> to vector<1x8x128xf32>
    %broadcast_in_dim3A_66 = vector.broadcast %broadcast_in_dim3A_65 : vector<1x8x128xf32> to vector<16x8x128xf32>
    %select_n3A_67 = arith.select %and3A_47, %broadcast_in_dim3A_66, %get3A_64 : vector<16x8x128xi1>, vector<16x8x128xf32>
    %mul3A_68 = arith.constant 8 : i32
    %mul3A_69 = arith.muli %arg0, %mul3A_68 : i32
    %add3A_70 = arith.constant 2 : i32
    %add3A_71 = arith.addi %mul3A_69, %add3A_70 : i32
    %get3A_72 = arith.index_cast %add3A_71 : i32 to index
    %get3A_73 = memref.load %arg3[%get3A_72] : memref<256xi32, #tpu.memory_space<smem>>
    %eq3A_74 = vector.broadcast %get3A_0 : i32 to vector<16x8x128xi32>
    %eq3A_75 = arith.cmpi eq, %iota3A, %eq3A_74 : vector<16x8x128xi32>
    %eq3A_76 = arith.constant 1 : i32
    %eq3A_77 = arith.cmpi eq, %get3A_73, %eq3A_76 : i32
    %and3A_78 = vector.broadcast %eq3A_77 : i1 to vector<16x8x128xi1>
    %and3A_79 = arith.andi %eq3A_75, %and3A_78 : vector<16x8x128xi1>
    %broadcast_in_dim3A_80 = vector.shape_cast %get3A_5 : vector<8x128xf32> to vector<1x8x128xf32>
    %get3A_81 = arith.constant 0 : index
    %get3A_82 = arith.constant 0 : index
    %get3A_83 = arith.constant 0 : index
    %get3A_84 = arith.constant 0 : index
    %get3A_85 = vector.load %arg9[%get3A_81, %get3A_82, %get3A_83, %get3A_84] : memref<1x16x8x128xf32, #tpu.memory_space<vmem>>, vector<1x16x8x128xf32>
    %get3A_86 = vector.shape_cast %get3A_85 : vector<1x16x8x128xf32> to vector<16x8x128xf32>
    %broadcast_in_dim3A_87 = vector.shape_cast %broadcast_in_dim3A_80 : vector<1x8x128xf32> to vector<1x8x128xf32>
    %broadcast_in_dim3A_88 = vector.broadcast %broadcast_in_dim3A_87 : vector<1x8x128xf32> to vector<16x8x128xf32>
    %select_n3A_89 = arith.select %and3A_79, %broadcast_in_dim3A_88, %get3A_86 : vector<16x8x128xi1>, vector<16x8x128xf32>
    %broadcast_in_dim3A_90 = vector.shape_cast %get3A_8 : vector<8x128xf32> to vector<1x8x128xf32>
    %get3A_91 = arith.constant 0 : index
    %get3A_92 = arith.constant 0 : index
    %get3A_93 = arith.constant 0 : index
    %get3A_94 = arith.constant 0 : index
    %get3A_95 = vector.load %arg17[%get3A_91, %get3A_92, %get3A_93, %get3A_94] : memref<1x16x8x128xf32, #tpu.memory_space<vmem>>, vector<1x16x8x128xf32>
    %get3A_96 = vector.shape_cast %get3A_95 : vector<1x16x8x128xf32> to vector<16x8x128xf32>
    %broadcast_in_dim3A_97 = vector.shape_cast %broadcast_in_dim3A_90 : vector<1x8x128xf32> to vector<1x8x128xf32>
    %broadcast_in_dim3A_98 = vector.broadcast %broadcast_in_dim3A_97 : vector<1x8x128xf32> to vector<16x8x128xf32>
    %select_n3A_99 = arith.select %and3A_79, %broadcast_in_dim3A_98, %get3A_96 : vector<16x8x128xi1>, vector<16x8x128xf32>
    %mul3A_100 = arith.constant 8 : i32
    %mul3A_101 = arith.muli %arg0, %mul3A_100 : i32
    %add3A_102 = arith.constant 3 : i32
    %add3A_103 = arith.addi %mul3A_101, %add3A_102 : i32
    %get3A_104 = arith.index_cast %add3A_103 : i32 to index
    %get3A_105 = memref.load %arg3[%get3A_104] : memref<256xi32, #tpu.memory_space<smem>>
    %eq3A_106 = vector.broadcast %get3A_0 : i32 to vector<16x8x128xi32>
    %eq3A_107 = arith.cmpi eq, %iota3A, %eq3A_106 : vector<16x8x128xi32>
    %eq3A_108 = arith.constant 1 : i32
    %eq3A_109 = arith.cmpi eq, %get3A_105, %eq3A_108 : i32
    %and3A_110 = vector.broadcast %eq3A_109 : i1 to vector<16x8x128xi1>
    %and3A_111 = arith.andi %eq3A_107, %and3A_110 : vector<16x8x128xi1>
    %broadcast_in_dim3A_112 = vector.shape_cast %get3A_5 : vector<8x128xf32> to vector<1x8x128xf32>
    %get3A_113 = arith.constant 0 : index
    %get3A_114 = arith.constant 0 : index
    %get3A_115 = arith.constant 0 : index
    %get3A_116 = arith.constant 0 : index
    %get3A_117 = vector.load %arg10[%get3A_113, %get3A_114, %get3A_115, %get3A_116] : memref<1x16x8x128xf32, #tpu.memory_space<vmem>>, vector<1x16x8x128xf32>
    %get3A_118 = vector.shape_cast %get3A_117 : vector<1x16x8x128xf32> to vector<16x8x128xf32>
    %broadcast_in_dim3A_119 = vector.shape_cast %broadcast_in_dim3A_112 : vector<1x8x128xf32> to vector<1x8x128xf32>
    %broadcast_in_dim3A_120 = vector.broadcast %broadcast_in_dim3A_119 : vector<1x8x128xf32> to vector<16x8x128xf32>
    %select_n3A_121 = arith.select %and3A_111, %broadcast_in_dim3A_120, %get3A_118 : vector<16x8x128xi1>, vector<16x8x128xf32>
    %broadcast_in_dim3A_122 = vector.shape_cast %get3A_8 : vector<8x128xf32> to vector<1x8x128xf32>
    %get3A_123 = arith.constant 0 : index
    %get3A_124 = arith.constant 0 : index
    %get3A_125 = arith.constant 0 : index
    %get3A_126 = arith.constant 0 : index
    %get3A_127 = vector.load %arg18[%get3A_123, %get3A_124, %get3A_125, %get3A_126] : memref<1x16x8x128xf32, #tpu.memory_space<vmem>>, vector<1x16x8x128xf32>
    %get3A_128 = vector.shape_cast %get3A_127 : vector<1x16x8x128xf32> to vector<16x8x128xf32>
    %broadcast_in_dim3A_129 = vector.shape_cast %broadcast_in_dim3A_122 : vector<1x8x128xf32> to vector<1x8x128xf32>
    %broadcast_in_dim3A_130 = vector.broadcast %broadcast_in_dim3A_129 : vector<1x8x128xf32> to vector<16x8x128xf32>
    %select_n3A_131 = arith.select %and3A_111, %broadcast_in_dim3A_130, %get3A_128 : vector<16x8x128xi1>, vector<16x8x128xf32>
    %mul3A_132 = arith.constant 8 : i32
    %mul3A_133 = arith.muli %arg0, %mul3A_132 : i32
    %add3A_134 = arith.constant 4 : i32
    %add3A_135 = arith.addi %mul3A_133, %add3A_134 : i32
    %get3A_136 = arith.index_cast %add3A_135 : i32 to index
    %get3A_137 = memref.load %arg3[%get3A_136] : memref<256xi32, #tpu.memory_space<smem>>
    %eq3A_138 = vector.broadcast %get3A_0 : i32 to vector<16x8x128xi32>
    %eq3A_139 = arith.cmpi eq, %iota3A, %eq3A_138 : vector<16x8x128xi32>
    %eq3A_140 = arith.constant 1 : i32
    %eq3A_141 = arith.cmpi eq, %get3A_137, %eq3A_140 : i32
    %and3A_142 = vector.broadcast %eq3A_141 : i1 to vector<16x8x128xi1>
    %and3A_143 = arith.andi %eq3A_139, %and3A_142 : vector<16x8x128xi1>
    %broadcast_in_dim3A_144 = vector.shape_cast %get3A_5 : vector<8x128xf32> to vector<1x8x128xf32>
    %get3A_145 = arith.constant 0 : index
    %get3A_146 = arith.constant 0 : index
    %get3A_147 = arith.constant 0 : index
    %get3A_148 = arith.constant 0 : index
    %get3A_149 = vector.load %arg11[%get3A_145, %get3A_146, %get3A_147, %get3A_148] : memref<1x16x8x128xf32, #tpu.memory_space<vmem>>, vector<1x16x8x128xf32>
    %get3A_150 = vector.shape_cast %get3A_149 : vector<1x16x8x128xf32> to vector<16x8x128xf32>
    %broadcast_in_dim3A_151 = vector.shape_cast %broadcast_in_dim3A_144 : vector<1x8x128xf32> to vector<1x8x128xf32>
    %broadcast_in_dim3A_152 = vector.broadcast %broadcast_in_dim3A_151 : vector<1x8x128xf32> to vector<16x8x128xf32>
    %select_n3A_153 = arith.select %and3A_143, %broadcast_in_dim3A_152, %get3A_150 : vector<16x8x128xi1>, vector<16x8x128xf32>
    %broadcast_in_dim3A_154 = vector.shape_cast %get3A_8 : vector<8x128xf32> to vector<1x8x128xf32>
    %get3A_155 = arith.constant 0 : index
    %get3A_156 = arith.constant 0 : index
    %get3A_157 = arith.constant 0 : index
    %get3A_158 = arith.constant 0 : index
    %get3A_159 = vector.load %arg19[%get3A_155, %get3A_156, %get3A_157, %get3A_158] : memref<1x16x8x128xf32, #tpu.memory_space<vmem>>, vector<1x16x8x128xf32>
    %get3A_160 = vector.shape_cast %get3A_159 : vector<1x16x8x128xf32> to vector<16x8x128xf32>
    %broadcast_in_dim3A_161 = vector.shape_cast %broadcast_in_dim3A_154 : vector<1x8x128xf32> to vector<1x8x128xf32>
    %broadcast_in_dim3A_162 = vector.broadcast %broadcast_in_dim3A_161 : vector<1x8x128xf32> to vector<16x8x128xf32>
    %select_n3A_163 = arith.select %and3A_143, %broadcast_in_dim3A_162, %get3A_160 : vector<16x8x128xi1>, vector<16x8x128xf32>
    %mul3A_164 = arith.constant 8 : i32
    %mul3A_165 = arith.muli %arg0, %mul3A_164 : i32
    %add3A_166 = arith.constant 5 : i32
    %add3A_167 = arith.addi %mul3A_165, %add3A_166 : i32
    %get3A_168 = arith.index_cast %add3A_167 : i32 to index
    %get3A_169 = memref.load %arg3[%get3A_168] : memref<256xi32, #tpu.memory_space<smem>>
    %eq3A_170 = vector.broadcast %get3A_0 : i32 to vector<16x8x128xi32>
    %eq3A_171 = arith.cmpi eq, %iota3A, %eq3A_170 : vector<16x8x128xi32>
    %eq3A_172 = arith.constant 1 : i32
    %eq3A_173 = arith.cmpi eq, %get3A_169, %eq3A_172 : i32
    %and3A_174 = vector.broadcast %eq3A_173 : i1 to vector<16x8x128xi1>
    %and3A_175 = arith.andi %eq3A_171, %and3A_174 : vector<16x8x128xi1>
    %broadcast_in_dim3A_176 = vector.shape_cast %get3A_5 : vector<8x128xf32> to vector<1x8x128xf32>
    %get3A_177 = arith.constant 0 : index
    %get3A_178 = arith.constant 0 : index
    %get3A_179 = arith.constant 0 : index
    %get3A_180 = arith.constant 0 : index
    %get3A_181 = vector.load %arg12[%get3A_177, %get3A_178, %get3A_179, %get3A_180] : memref<1x16x8x128xf32, #tpu.memory_space<vmem>>, vector<1x16x8x128xf32>
    %get3A_182 = vector.shape_cast %get3A_181 : vector<1x16x8x128xf32> to vector<16x8x128xf32>
    %broadcast_in_dim3A_183 = vector.shape_cast %broadcast_in_dim3A_176 : vector<1x8x128xf32> to vector<1x8x128xf32>
    %broadcast_in_dim3A_184 = vector.broadcast %broadcast_in_dim3A_183 : vector<1x8x128xf32> to vector<16x8x128xf32>
    %select_n3A_185 = arith.select %and3A_175, %broadcast_in_dim3A_184, %get3A_182 : vector<16x8x128xi1>, vector<16x8x128xf32>
    %broadcast_in_dim3A_186 = vector.shape_cast %get3A_8 : vector<8x128xf32> to vector<1x8x128xf32>
    %get3A_187 = arith.constant 0 : index
    %get3A_188 = arith.constant 0 : index
    %get3A_189 = arith.constant 0 : index
    %get3A_190 = arith.constant 0 : index
    %get3A_191 = vector.load %arg20[%get3A_187, %get3A_188, %get3A_189, %get3A_190] : memref<1x16x8x128xf32, #tpu.memory_space<vmem>>, vector<1x16x8x128xf32>
    %get3A_192 = vector.shape_cast %get3A_191 : vector<1x16x8x128xf32> to vector<16x8x128xf32>
    %broadcast_in_dim3A_193 = vector.shape_cast %broadcast_in_dim3A_186 : vector<1x8x128xf32> to vector<1x8x128xf32>
    %broadcast_in_dim3A_194 = vector.broadcast %broadcast_in_dim3A_193 : vector<1x8x128xf32> to vector<16x8x128xf32>
    %select_n3A_195 = arith.select %and3A_175, %broadcast_in_dim3A_194, %get3A_192 : vector<16x8x128xi1>, vector<16x8x128xf32>
    %mul3A_196 = arith.constant 8 : i32
    %mul3A_197 = arith.muli %arg0, %mul3A_196 : i32
    %add3A_198 = arith.constant 6 : i32
    %add3A_199 = arith.addi %mul3A_197, %add3A_198 : i32
    %get3A_200 = arith.index_cast %add3A_199 : i32 to index
    %get3A_201 = memref.load %arg3[%get3A_200] : memref<256xi32, #tpu.memory_space<smem>>
    %eq3A_202 = vector.broadcast %get3A_0 : i32 to vector<16x8x128xi32>
    %eq3A_203 = arith.cmpi eq, %iota3A, %eq3A_202 : vector<16x8x128xi32>
    %eq3A_204 = arith.constant 1 : i32
    %eq3A_205 = arith.cmpi eq, %get3A_201, %eq3A_204 : i32
    %and3A_206 = vector.broadcast %eq3A_205 : i1 to vector<16x8x128xi1>
    %and3A_207 = arith.andi %eq3A_203, %and3A_206 : vector<16x8x128xi1>
    %broadcast_in_dim3A_208 = vector.shape_cast %get3A_5 : vector<8x128xf32> to vector<1x8x128xf32>
    %get3A_209 = arith.constant 0 : index
    %get3A_210 = arith.constant 0 : index
    %get3A_211 = arith.constant 0 : index
    %get3A_212 = arith.constant 0 : index
    %get3A_213 = vector.load %arg13[%get3A_209, %get3A_210, %get3A_211, %get3A_212] : memref<1x16x8x128xf32, #tpu.memory_space<vmem>>, vector<1x16x8x128xf32>
    %get3A_214 = vector.shape_cast %get3A_213 : vector<1x16x8x128xf32> to vector<16x8x128xf32>
    %broadcast_in_dim3A_215 = vector.shape_cast %broadcast_in_dim3A_208 : vector<1x8x128xf32> to vector<1x8x128xf32>
    %broadcast_in_dim3A_216 = vector.broadcast %broadcast_in_dim3A_215 : vector<1x8x128xf32> to vector<16x8x128xf32>
    %select_n3A_217 = arith.select %and3A_207, %broadcast_in_dim3A_216, %get3A_214 : vector<16x8x128xi1>, vector<16x8x128xf32>
    %broadcast_in_dim3A_218 = vector.shape_cast %get3A_8 : vector<8x128xf32> to vector<1x8x128xf32>
    %get3A_219 = arith.constant 0 : index
    %get3A_220 = arith.constant 0 : index
    %get3A_221 = arith.constant 0 : index
    %get3A_222 = arith.constant 0 : index
    %get3A_223 = vector.load %arg21[%get3A_219, %get3A_220, %get3A_221, %get3A_222] : memref<1x16x8x128xf32, #tpu.memory_space<vmem>>, vector<1x16x8x128xf32>
    %get3A_224 = vector.shape_cast %get3A_223 : vector<1x16x8x128xf32> to vector<16x8x128xf32>
    %broadcast_in_dim3A_225 = vector.shape_cast %broadcast_in_dim3A_218 : vector<1x8x128xf32> to vector<1x8x128xf32>
    %broadcast_in_dim3A_226 = vector.broadcast %broadcast_in_dim3A_225 : vector<1x8x128xf32> to vector<16x8x128xf32>
    %select_n3A_227 = arith.select %and3A_207, %broadcast_in_dim3A_226, %get3A_224 : vector<16x8x128xi1>, vector<16x8x128xf32>
    %mul3A_228 = arith.constant 8 : i32
    %mul3A_229 = arith.muli %arg0, %mul3A_228 : i32
    %add3A_230 = arith.constant 7 : i32
    %add3A_231 = arith.addi %mul3A_229, %add3A_230 : i32
    %get3A_232 = arith.index_cast %add3A_231 : i32 to index
    %get3A_233 = memref.load %arg3[%get3A_232] : memref<256xi32, #tpu.memory_space<smem>>
    %eq3A_234 = vector.broadcast %get3A_0 : i32 to vector<16x8x128xi32>
    %eq3A_235 = arith.cmpi eq, %iota3A, %eq3A_234 : vector<16x8x128xi32>
    %eq3A_236 = arith.constant 1 : i32
    %eq3A_237 = arith.cmpi eq, %get3A_233, %eq3A_236 : i32
    %and3A_238 = vector.broadcast %eq3A_237 : i1 to vector<16x8x128xi1>
    %and3A_239 = arith.andi %eq3A_235, %and3A_238 : vector<16x8x128xi1>
    %broadcast_in_dim3A_240 = vector.shape_cast %get3A_5 : vector<8x128xf32> to vector<1x8x128xf32>
    %get3A_241 = arith.constant 0 : index
    %get3A_242 = arith.constant 0 : index
    %get3A_243 = arith.constant 0 : index
    %get3A_244 = arith.constant 0 : index
    %get3A_245 = vector.load %arg14[%get3A_241, %get3A_242, %get3A_243, %get3A_244] : memref<1x16x8x128xf32, #tpu.memory_space<vmem>>, vector<1x16x8x128xf32>
    %get3A_246 = vector.shape_cast %get3A_245 : vector<1x16x8x128xf32> to vector<16x8x128xf32>
    %broadcast_in_dim3A_247 = vector.shape_cast %broadcast_in_dim3A_240 : vector<1x8x128xf32> to vector<1x8x128xf32>
    %broadcast_in_dim3A_248 = vector.broadcast %broadcast_in_dim3A_247 : vector<1x8x128xf32> to vector<16x8x128xf32>
    %select_n3A_249 = arith.select %and3A_239, %broadcast_in_dim3A_248, %get3A_246 : vector<16x8x128xi1>, vector<16x8x128xf32>
    %broadcast_in_dim3A_250 = vector.shape_cast %get3A_8 : vector<8x128xf32> to vector<1x8x128xf32>
    %get3A_251 = arith.constant 0 : index
    %get3A_252 = arith.constant 0 : index
    %get3A_253 = arith.constant 0 : index
    %get3A_254 = arith.constant 0 : index
    %get3A_255 = vector.load %arg22[%get3A_251, %get3A_252, %get3A_253, %get3A_254] : memref<1x16x8x128xf32, #tpu.memory_space<vmem>>, vector<1x16x8x128xf32>
    %get3A_256 = vector.shape_cast %get3A_255 : vector<1x16x8x128xf32> to vector<16x8x128xf32>
    %broadcast_in_dim3A_257 = vector.shape_cast %broadcast_in_dim3A_250 : vector<1x8x128xf32> to vector<1x8x128xf32>
    %broadcast_in_dim3A_258 = vector.broadcast %broadcast_in_dim3A_257 : vector<1x8x128xf32> to vector<16x8x128xf32>
    %select_n3A_259 = arith.select %and3A_239, %broadcast_in_dim3A_258, %get3A_256 : vector<16x8x128xi1>, vector<16x8x128xf32>
    %concatenate3A = tpu.concatenate %select_n3A, %select_n3A_57, %select_n3A_89, %select_n3A_121, %select_n3A_153, %select_n3A_185, %select_n3A_217, %select_n3A_249 in 0 : vector<16x8x128xf32>, vector<16x8x128xf32>, vector<16x8x128xf32>, vector<16x8x128xf32>, vector<16x8x128xf32>, vector<16x8x128xf32>, vector<16x8x128xf32>, vector<16x8x128xf32> -> vector<128x8x128xf32>
    %concatenate3A_260 = tpu.concatenate %select_n3A_35, %select_n3A_67, %select_n3A_99, %select_n3A_131, %select_n3A_163, %select_n3A_195, %select_n3A_227, %select_n3A_259 in 0 : vector<16x8x128xf32>, vector<16x8x128xf32>, vector<16x8x128xf32>, vector<16x8x128xf32>, vector<16x8x128xf32>, vector<16x8x128xf32>, vector<16x8x128xf32>, vector<16x8x128xf32> -> vector<128x8x128xf32>
    %slice3A = vector.extract_strided_slice %concatenate3A {offsets = [0, 0, 0], sizes = [128, 1, 128], strides = [1, 1, 1]} : vector<128x8x128xf32> to vector<128x1x128xf32>
    %squeeze3A = vector.shape_cast %slice3A : vector<128x1x128xf32> to vector<128x128xf32>
    %get3A_261 = arith.constant 0 : index
    %get3A_262 = arith.constant 0 : index
    %get3A_263 = vector.load %arg4[%get3A_261, %get3A_262] : memref<32x128xf32, #tpu.memory_space<vmem>>, vector<4x128xf32>
    %dot_general3A = arith.constant dense<0.000000e+00> : vector<4x128xf32>
    %dot_general3A_264 = tpu.matmul %get3A_263, %squeeze3A, %dot_general3A {dimension_numbers = #tpu.dot_dimension_numbers<[1], [1], [0], [0], [0, 0, 1, 0], [], []>, transpose_lhs_hint = false} : vector<4x128xf32>, vector<128x128xf32>, vector<4x128xf32> -> vector<4x128xf32>
    %slice3A_265 = vector.extract_strided_slice %concatenate3A {offsets = [0, 1, 0], sizes = [128, 1, 128], strides = [1, 1, 1]} : vector<128x8x128xf32> to vector<128x1x128xf32>
    %squeeze3A_266 = vector.shape_cast %slice3A_265 : vector<128x1x128xf32> to vector<128x128xf32>
    %get3A_267 = arith.constant 4 : index
    %get3A_268 = arith.constant 0 : index
    %get3A_269 = vector.load %arg4[%get3A_267, %get3A_268] : memref<32x128xf32, #tpu.memory_space<vmem>>, vector<4x128xf32>
    %dot_general3A_270 = arith.constant dense<0.000000e+00> : vector<4x128xf32>
    %dot_general3A_271 = tpu.matmul %get3A_269, %squeeze3A_266, %dot_general3A_270 {dimension_numbers = #tpu.dot_dimension_numbers<[1], [1], [0], [0], [0, 0, 1, 0], [], []>, transpose_lhs_hint = false} : vector<4x128xf32>, vector<128x128xf32>, vector<4x128xf32> -> vector<4x128xf32>
    %slice3A_272 = vector.extract_strided_slice %concatenate3A {offsets = [0, 2, 0], sizes = [128, 1, 128], strides = [1, 1, 1]} : vector<128x8x128xf32> to vector<128x1x128xf32>
    %squeeze3A_273 = vector.shape_cast %slice3A_272 : vector<128x1x128xf32> to vector<128x128xf32>
    %get3A_274 = arith.constant 8 : index
    %get3A_275 = arith.constant 0 : index
    %get3A_276 = vector.load %arg4[%get3A_274, %get3A_275] : memref<32x128xf32, #tpu.memory_space<vmem>>, vector<4x128xf32>
    %dot_general3A_277 = arith.constant dense<0.000000e+00> : vector<4x128xf32>
    %dot_general3A_278 = tpu.matmul %get3A_276, %squeeze3A_273, %dot_general3A_277 {dimension_numbers = #tpu.dot_dimension_numbers<[1], [1], [0], [0], [0, 0, 1, 0], [], []>, transpose_lhs_hint = false} : vector<4x128xf32>, vector<128x128xf32>, vector<4x128xf32> -> vector<4x128xf32>
    %slice3A_279 = vector.extract_strided_slice %concatenate3A {offsets = [0, 3, 0], sizes = [128, 1, 128], strides = [1, 1, 1]} : vector<128x8x128xf32> to vector<128x1x128xf32>
    %squeeze3A_280 = vector.shape_cast %slice3A_279 : vector<128x1x128xf32> to vector<128x128xf32>
    %get3A_281 = arith.constant 12 : index
    %get3A_282 = arith.constant 0 : index
    %get3A_283 = vector.load %arg4[%get3A_281, %get3A_282] : memref<32x128xf32, #tpu.memory_space<vmem>>, vector<4x128xf32>
    %dot_general3A_284 = arith.constant dense<0.000000e+00> : vector<4x128xf32>
    %dot_general3A_285 = tpu.matmul %get3A_283, %squeeze3A_280, %dot_general3A_284 {dimension_numbers = #tpu.dot_dimension_numbers<[1], [1], [0], [0], [0, 0, 1, 0], [], []>, transpose_lhs_hint = false} : vector<4x128xf32>, vector<128x128xf32>, vector<4x128xf32> -> vector<4x128xf32>
    %slice3A_286 = vector.extract_strided_slice %concatenate3A {offsets = [0, 4, 0], sizes = [128, 1, 128], strides = [1, 1, 1]} : vector<128x8x128xf32> to vector<128x1x128xf32>
    %squeeze3A_287 = vector.shape_cast %slice3A_286 : vector<128x1x128xf32> to vector<128x128xf32>
    %get3A_288 = arith.constant 16 : index
    %get3A_289 = arith.constant 0 : index
    %get3A_290 = vector.load %arg4[%get3A_288, %get3A_289] : memref<32x128xf32, #tpu.memory_space<vmem>>, vector<4x128xf32>
    %dot_general3A_291 = arith.constant dense<0.000000e+00> : vector<4x128xf32>
    %dot_general3A_292 = tpu.matmul %get3A_290, %squeeze3A_287, %dot_general3A_291 {dimension_numbers = #tpu.dot_dimension_numbers<[1], [1], [0], [0], [0, 0, 1, 0], [], []>, transpose_lhs_hint = false} : vector<4x128xf32>, vector<128x128xf32>, vector<4x128xf32> -> vector<4x128xf32>
    %slice3A_293 = vector.extract_strided_slice %concatenate3A {offsets = [0, 5, 0], sizes = [128, 1, 128], strides = [1, 1, 1]} : vector<128x8x128xf32> to vector<128x1x128xf32>
    %squeeze3A_294 = vector.shape_cast %slice3A_293 : vector<128x1x128xf32> to vector<128x128xf32>
    %get3A_295 = arith.constant 20 : index
    %get3A_296 = arith.constant 0 : index
    %get3A_297 = vector.load %arg4[%get3A_295, %get3A_296] : memref<32x128xf32, #tpu.memory_space<vmem>>, vector<4x128xf32>
    %dot_general3A_298 = arith.constant dense<0.000000e+00> : vector<4x128xf32>
    %dot_general3A_299 = tpu.matmul %get3A_297, %squeeze3A_294, %dot_general3A_298 {dimension_numbers = #tpu.dot_dimension_numbers<[1], [1], [0], [0], [0, 0, 1, 0], [], []>, transpose_lhs_hint = false} : vector<4x128xf32>, vector<128x128xf32>, vector<4x128xf32> -> vector<4x128xf32>
    %slice3A_300 = vector.extract_strided_slice %concatenate3A {offsets = [0, 6, 0], sizes = [128, 1, 128], strides = [1, 1, 1]} : vector<128x8x128xf32> to vector<128x1x128xf32>
    %squeeze3A_301 = vector.shape_cast %slice3A_300 : vector<128x1x128xf32> to vector<128x128xf32>
    %get3A_302 = arith.constant 24 : index
    %get3A_303 = arith.constant 0 : index
    %get3A_304 = vector.load %arg4[%get3A_302, %get3A_303] : memref<32x128xf32, #tpu.memory_space<vmem>>, vector<4x128xf32>
    %dot_general3A_305 = arith.constant dense<0.000000e+00> : vector<4x128xf32>
    %dot_general3A_306 = tpu.matmul %get3A_304, %squeeze3A_301, %dot_general3A_305 {dimension_numbers = #tpu.dot_dimension_numbers<[1], [1], [0], [0], [0, 0, 1, 0], [], []>, transpose_lhs_hint = false} : vector<4x128xf32>, vector<128x128xf32>, vector<4x128xf32> -> vector<4x128xf32>
    %slice3A_307 = vector.extract_strided_slice %concatenate3A {offsets = [0, 7, 0], sizes = [128, 1, 128], strides = [1, 1, 1]} : vector<128x8x128xf32> to vector<128x1x128xf32>
    %squeeze3A_308 = vector.shape_cast %slice3A_307 : vector<128x1x128xf32> to vector<128x128xf32>
    %get3A_309 = arith.constant 28 : index
    %get3A_310 = arith.constant 0 : index
    %get3A_311 = vector.load %arg4[%get3A_309, %get3A_310] : memref<32x128xf32, #tpu.memory_space<vmem>>, vector<4x128xf32>
    %dot_general3A_312 = arith.constant dense<0.000000e+00> : vector<4x128xf32>
    %dot_general3A_313 = tpu.matmul %get3A_311, %squeeze3A_308, %dot_general3A_312 {dimension_numbers = #tpu.dot_dimension_numbers<[1], [1], [0], [0], [0, 0, 1, 0], [], []>, transpose_lhs_hint = false} : vector<4x128xf32>, vector<128x128xf32>, vector<4x128xf32> -> vector<4x128xf32>
    %concatenate3A_314 = tpu.concatenate %dot_general3A_264, %dot_general3A_271, %dot_general3A_278, %dot_general3A_285, %dot_general3A_292, %dot_general3A_299, %dot_general3A_306, %dot_general3A_313 in 0 : vector<4x128xf32>, vector<4x128xf32>, vector<4x128xf32>, vector<4x128xf32>, vector<4x128xf32>, vector<4x128xf32>, vector<4x128xf32>, vector<4x128xf32> -> vector<32x128xf32>
    %mul3A_315 = arith.constant 0.0883883461 : f32
    %mul3A_316 = vector.broadcast %mul3A_315 : f32 to vector<32x128xf32>
    %mul3A_317 = arith.mulf %concatenate3A_314, %mul3A_316 : vector<32x128xf32>
    %get3A_318 = arith.constant 0 : index
    %get3A_319 = arith.constant 0 : index
    %get3A_320 = vector.load %arg24[%get3A_318, %get3A_319] : memref<32x128xf32, #tpu.memory_space<vmem>>, vector<32x1xf32>
    %get3A_321 = arith.constant 0 : index
    %get3A_322 = arith.constant 0 : index
    %get3A_323 = vector.load %arg25[%get3A_321, %get3A_322] : memref<32x128xf32, #tpu.memory_space<vmem>>, vector<32x1xf32>
    %reduce_max3A = arith.constant dense<0xFF800000> : vector<32xf32>
    %reduce_max3A_324 = vector.multi_reduction <maximumf>, %mul3A_317, %reduce_max3A [1] : vector<32x128xf32> to vector<32xf32>
    %broadcast_in_dim3A_325 = vector.shape_cast %reduce_max3A_324 : vector<32xf32> to vector<32x1xf32>
    %max3A = arith.maximumf %get3A_320, %broadcast_in_dim3A_325 : vector<32x1xf32>
    %sub3A = arith.subf %get3A_320, %max3A : vector<32x1xf32>
    %exp3A = math.exp %sub3A : vector<32x1xf32>
    %sub3A_326 = vector.broadcast %max3A : vector<32x1xf32> to vector<32x128xf32>
    %sub3A_327 = arith.subf %mul3A_317, %sub3A_326 : vector<32x128xf32>
    %exp3A_328 = math.exp %sub3A_327 : vector<32x128xf32>
    %mul3A_329 = arith.mulf %exp3A, %get3A_323 : vector<32x1xf32>
    %reduce_sum3A = arith.constant dense<0.000000e+00> : vector<32xf32>
    %reduce_sum3A_330 = vector.multi_reduction <add>, %exp3A_328, %reduce_sum3A [1] : vector<32x128xf32> to vector<32xf32>
    %broadcast_in_dim3A_331 = vector.shape_cast %reduce_sum3A_330 : vector<32xf32> to vector<32x1xf32>
    %add3A_332 = arith.addf %mul3A_329, %broadcast_in_dim3A_331 : vector<32x1xf32>
    %slice3A_333 = vector.extract_strided_slice %exp3A_328 {offsets = [0, 0], sizes = [4, 128], strides = [1, 1]} : vector<32x128xf32> to vector<4x128xf32>
    %slice3A_334 = vector.extract_strided_slice %concatenate3A_260 {offsets = [0, 0, 0], sizes = [128, 1, 128], strides = [1, 1, 1]} : vector<128x8x128xf32> to vector<128x1x128xf32>
    %squeeze3A_335 = vector.shape_cast %slice3A_334 : vector<128x1x128xf32> to vector<128x128xf32>
    %dot_general3A_336 = arith.constant dense<0.000000e+00> : vector<4x128xf32>
    %dot_general3A_337 = tpu.matmul %slice3A_333, %squeeze3A_335, %dot_general3A_336 {dimension_numbers = #tpu.dot_dimension_numbers<[1], [0], [0], [1], [0, 0, 1, 1], [], []>, transpose_lhs_hint = false} : vector<4x128xf32>, vector<128x128xf32>, vector<4x128xf32> -> vector<4x128xf32>
    %slice3A_338 = vector.extract_strided_slice %exp3A_328 {offsets = [4, 0], sizes = [4, 128], strides = [1, 1]} : vector<32x128xf32> to vector<4x128xf32>
    %slice3A_339 = vector.extract_strided_slice %concatenate3A_260 {offsets = [0, 1, 0], sizes = [128, 1, 128], strides = [1, 1, 1]} : vector<128x8x128xf32> to vector<128x1x128xf32>
    %squeeze3A_340 = vector.shape_cast %slice3A_339 : vector<128x1x128xf32> to vector<128x128xf32>
    %dot_general3A_341 = arith.constant dense<0.000000e+00> : vector<4x128xf32>
    %dot_general3A_342 = tpu.matmul %slice3A_338, %squeeze3A_340, %dot_general3A_341 {dimension_numbers = #tpu.dot_dimension_numbers<[1], [0], [0], [1], [0, 0, 1, 1], [], []>, transpose_lhs_hint = false} : vector<4x128xf32>, vector<128x128xf32>, vector<4x128xf32> -> vector<4x128xf32>
    %slice3A_343 = vector.extract_strided_slice %exp3A_328 {offsets = [8, 0], sizes = [4, 128], strides = [1, 1]} : vector<32x128xf32> to vector<4x128xf32>
    %slice3A_344 = vector.extract_strided_slice %concatenate3A_260 {offsets = [0, 2, 0], sizes = [128, 1, 128], strides = [1, 1, 1]} : vector<128x8x128xf32> to vector<128x1x128xf32>
    %squeeze3A_345 = vector.shape_cast %slice3A_344 : vector<128x1x128xf32> to vector<128x128xf32>
    %dot_general3A_346 = arith.constant dense<0.000000e+00> : vector<4x128xf32>
    %dot_general3A_347 = tpu.matmul %slice3A_343, %squeeze3A_345, %dot_general3A_346 {dimension_numbers = #tpu.dot_dimension_numbers<[1], [0], [0], [1], [0, 0, 1, 1], [], []>, transpose_lhs_hint = false} : vector<4x128xf32>, vector<128x128xf32>, vector<4x128xf32> -> vector<4x128xf32>
    %slice3A_348 = vector.extract_strided_slice %exp3A_328 {offsets = [12, 0], sizes = [4, 128], strides = [1, 1]} : vector<32x128xf32> to vector<4x128xf32>
    %slice3A_349 = vector.extract_strided_slice %concatenate3A_260 {offsets = [0, 3, 0], sizes = [128, 1, 128], strides = [1, 1, 1]} : vector<128x8x128xf32> to vector<128x1x128xf32>
    %squeeze3A_350 = vector.shape_cast %slice3A_349 : vector<128x1x128xf32> to vector<128x128xf32>
    %dot_general3A_351 = arith.constant dense<0.000000e+00> : vector<4x128xf32>
    %dot_general3A_352 = tpu.matmul %slice3A_348, %squeeze3A_350, %dot_general3A_351 {dimension_numbers = #tpu.dot_dimension_numbers<[1], [0], [0], [1], [0, 0, 1, 1], [], []>, transpose_lhs_hint = false} : vector<4x128xf32>, vector<128x128xf32>, vector<4x128xf32> -> vector<4x128xf32>
    %slice3A_353 = vector.extract_strided_slice %exp3A_328 {offsets = [16, 0], sizes = [4, 128], strides = [1, 1]} : vector<32x128xf32> to vector<4x128xf32>
    %slice3A_354 = vector.extract_strided_slice %concatenate3A_260 {offsets = [0, 4, 0], sizes = [128, 1, 128], strides = [1, 1, 1]} : vector<128x8x128xf32> to vector<128x1x128xf32>
    %squeeze3A_355 = vector.shape_cast %slice3A_354 : vector<128x1x128xf32> to vector<128x128xf32>
    %dot_general3A_356 = arith.constant dense<0.000000e+00> : vector<4x128xf32>
    %dot_general3A_357 = tpu.matmul %slice3A_353, %squeeze3A_355, %dot_general3A_356 {dimension_numbers = #tpu.dot_dimension_numbers<[1], [0], [0], [1], [0, 0, 1, 1], [], []>, transpose_lhs_hint = false} : vector<4x128xf32>, vector<128x128xf32>, vector<4x128xf32> -> vector<4x128xf32>
    %slice3A_358 = vector.extract_strided_slice %exp3A_328 {offsets = [20, 0], sizes = [4, 128], strides = [1, 1]} : vector<32x128xf32> to vector<4x128xf32>
    %slice3A_359 = vector.extract_strided_slice %concatenate3A_260 {offsets = [0, 5, 0], sizes = [128, 1, 128], strides = [1, 1, 1]} : vector<128x8x128xf32> to vector<128x1x128xf32>
    %squeeze3A_360 = vector.shape_cast %slice3A_359 : vector<128x1x128xf32> to vector<128x128xf32>
    %dot_general3A_361 = arith.constant dense<0.000000e+00> : vector<4x128xf32>
    %dot_general3A_362 = tpu.matmul %slice3A_358, %squeeze3A_360, %dot_general3A_361 {dimension_numbers = #tpu.dot_dimension_numbers<[1], [0], [0], [1], [0, 0, 1, 1], [], []>, transpose_lhs_hint = false} : vector<4x128xf32>, vector<128x128xf32>, vector<4x128xf32> -> vector<4x128xf32>
    %slice3A_363 = vector.extract_strided_slice %exp3A_328 {offsets = [24, 0], sizes = [4, 128], strides = [1, 1]} : vector<32x128xf32> to vector<4x128xf32>
    %slice3A_364 = vector.extract_strided_slice %concatenate3A_260 {offsets = [0, 6, 0], sizes = [128, 1, 128], strides = [1, 1, 1]} : vector<128x8x128xf32> to vector<128x1x128xf32>
    %squeeze3A_365 = vector.shape_cast %slice3A_364 : vector<128x1x128xf32> to vector<128x128xf32>
    %dot_general3A_366 = arith.constant dense<0.000000e+00> : vector<4x128xf32>
    %dot_general3A_367 = tpu.matmul %slice3A_363, %squeeze3A_365, %dot_general3A_366 {dimension_numbers = #tpu.dot_dimension_numbers<[1], [0], [0], [1], [0, 0, 1, 1], [], []>, transpose_lhs_hint = false} : vector<4x128xf32>, vector<128x128xf32>, vector<4x128xf32> -> vector<4x128xf32>
    %slice3A_368 = vector.extract_strided_slice %exp3A_328 {offsets = [28, 0], sizes = [4, 128], strides = [1, 1]} : vector<32x128xf32> to vector<4x128xf32>
    %slice3A_369 = vector.extract_strided_slice %concatenate3A_260 {offsets = [0, 7, 0], sizes = [128, 1, 128], strides = [1, 1, 1]} : vector<128x8x128xf32> to vector<128x1x128xf32>
    %squeeze3A_370 = vector.shape_cast %slice3A_369 : vector<128x1x128xf32> to vector<128x128xf32>
    %dot_general3A_371 = arith.constant dense<0.000000e+00> : vector<4x128xf32>
    %dot_general3A_372 = tpu.matmul %slice3A_368, %squeeze3A_370, %dot_general3A_371 {dimension_numbers = #tpu.dot_dimension_numbers<[1], [0], [0], [1], [0, 0, 1, 1], [], []>, transpose_lhs_hint = false} : vector<4x128xf32>, vector<128x128xf32>, vector<4x128xf32> -> vector<4x128xf32>
    %concatenate3A_373 = tpu.concatenate %dot_general3A_337, %dot_general3A_342, %dot_general3A_347, %dot_general3A_352, %dot_general3A_357, %dot_general3A_362, %dot_general3A_367, %dot_general3A_372 in 0 : vector<4x128xf32>, vector<4x128xf32>, vector<4x128xf32>, vector<4x128xf32>, vector<4x128xf32>, vector<4x128xf32>, vector<4x128xf32>, vector<4x128xf32> -> vector<32x128xf32>
    %get3A_374 = arith.constant 0 : index
    %get3A_375 = arith.constant 0 : index
    %get3A_376 = vector.load %arg26[%get3A_374, %get3A_375] : memref<32x128xf32, #tpu.memory_space<vmem>>, vector<32x128xf32>
    %mul3A_377 = vector.broadcast %exp3A : vector<32x1xf32> to vector<32x128xf32>
    %mul3A_378 = arith.mulf %mul3A_377, %get3A_376 : vector<32x128xf32>
    %add3A_379 = arith.addf %mul3A_378, %concatenate3A_373 : vector<32x128xf32>
    %broadcast_in_dim3A_380 = vector.shape_cast %max3A : vector<32x1xf32> to vector<32x1xf32>
    %broadcast_in_dim3A_381 = vector.broadcast %broadcast_in_dim3A_380 : vector<32x1xf32> to vector<32x128xf32>
    %swap3A = arith.constant 0 : index
    %swap3A_382 = arith.constant 0 : index
    %swap3A_383 = vector.load %arg24[%swap3A, %swap3A_382] : memref<32x128xf32, #tpu.memory_space<vmem>>, vector<32x128xf32>
    tpu.vector_store %arg24[%swap3A, %swap3A_382], %broadcast_in_dim3A_381 {strides = array<i32>} : memref<32x128xf32, #tpu.memory_space<vmem>>, vector<32x128xf32>,
    %broadcast_in_dim3A_384 = vector.shape_cast %add3A_332 : vector<32x1xf32> to vector<32x1xf32>
    %broadcast_in_dim3A_385 = vector.broadcast %broadcast_in_dim3A_384 : vector<32x1xf32> to vector<32x128xf32>
    %swap3A_386 = arith.constant 0 : index
    %swap3A_387 = arith.constant 0 : index
    %swap3A_388 = vector.load %arg25[%swap3A_386, %swap3A_387] : memref<32x128xf32, #tpu.memory_space<vmem>>, vector<32x128xf32>
    tpu.vector_store %arg25[%swap3A_386, %swap3A_387], %broadcast_in_dim3A_385 {strides = array<i32>} : memref<32x128xf32, #tpu.memory_space<vmem>>, vector<32x128xf32>,
    %swap3A_389 = arith.constant 0 : index
    %swap3A_390 = arith.constant 0 : index
    %swap3A_391 = vector.load %arg26[%swap3A_389, %swap3A_390] : memref<32x128xf32, #tpu.memory_space<vmem>>, vector<32x128xf32>
    tpu.vector_store %arg26[%swap3A_389, %swap3A_390], %add3A_379 {strides = array<i32>} : memref<32x128xf32, #tpu.memory_space<vmem>>, vector<32x128xf32>,
    %eq3A_392 = arith.constant 31 : i32
    %eq3A_393 = arith.cmpi eq, %arg0, %eq3A_392 : i32
    %convert_element_type3A_394 = arith.extui %eq3A_393 : i1 to i32
    %cond3A_395 = arith.constant 0 : i32
    %cond3A_396 = arith.cmpi ne, %convert_element_type3A_394, %cond3A_395 : i32
    scf.if %cond3A_396 {
      %div3A = vector.broadcast %add3A_332 : vector<32x1xf32> to vector<32x128xf32>
      %div3A_397 = arith.divf %add3A_379, %div3A : vector<32x128xf32>
      %swap3A_398 = arith.constant 0 : index
      %swap3A_399 = arith.constant 0 : index
      %swap3A_400 = vector.load %arg23[%swap3A_398, %swap3A_399] : memref<32x128xf32, #tpu.memory_space<vmem>>, vector<32x128xf32>
      tpu.vector_store %arg23[%swap3A_398, %swap3A_399], %div3A_397 {strides = array<i32>} : memref<32x128xf32, #tpu.memory_space<vmem>>, vector<32x128xf32>,
    } else {
    }
    return
  }
  func.func @transform_0(%arg0: i32, %arg1: memref<256xi32, #tpu.memory_space<smem>>, %arg2: memref<1xi32, #tpu.memory_space<smem>>, %arg3: memref<256xi32, #tpu.memory_space<smem>>) -> (i32, i32) {
    %c0_i32 = arith.constant 0 : i32
    %c0_i32_0 = arith.constant 0 : i32
    %c0_i32_1 = arith.constant 0 : i32
    return %c0_i32, %c0_i32_0 : i32, i32
  }
  func.func @transform_1(%arg0: i32, %arg1: memref<256xi32, #tpu.memory_space<smem>>, %arg2: memref<1xi32, #tpu.memory_space<smem>>, %arg3: memref<256xi32, #tpu.memory_space<smem>>) -> (i32, i32) {
    %c0_i32 = arith.constant 0 : i32
    %c0_i32_0 = arith.constant 0 : i32
    %c0_i32_1 = arith.constant 0 : i32
    return %c0_i32, %c0_i32_0 : i32, i32
  }
  func.func @transform_2(%arg0: i32, %arg1: memref<256xi32, #tpu.memory_space<smem>>, %arg2: memref<1xi32, #tpu.memory_space<smem>>, %arg3: memref<256xi32, #tpu.memory_space<smem>>) -> (i32, i32) {
    %c0_i32 = arith.constant 0 : i32
    %c0_i32_0 = arith.constant 0 : i32
    %c0_i32_1 = arith.constant 0 : i32
    return %c0_i32, %c0_i32_0 : i32, i32
  }
  func.func @transform_3(%arg0: i32, %arg1: memref<256xi32, #tpu.memory_space<smem>>, %arg2: memref<1xi32, #tpu.memory_space<smem>>, %arg3: memref<256xi32, #tpu.memory_space<smem>>) -> (i32, i32, i32, i32) {
    %mul3A = arith.constant 8 : i32
    %mul3A_0 = arith.muli %arg0, %mul3A : i32
    %add3A = arith.constant 0 : i32
    %add3A_1 = arith.addi %mul3A_0, %add3A : i32
    %get3A = arith.index_cast %add3A_1 : i32 to index
    %get3A_2 = memref.load %arg1[%get3A] : memref<256xi32, #tpu.memory_space<smem>>
    %c0_i32 = arith.constant 0 : i32
    %c0_i32_3 = arith.constant 0 : i32
    %c0_i32_4 = arith.constant 0 : i32
    %c0_i32_5 = arith.constant 0 : i32
    return %get3A_2, %c0_i32, %c0_i32_3, %c0_i32_4 : i32, i32, i32, i32
  }
  func.func @transform_4(%arg0: i32, %arg1: memref<256xi32, #tpu.memory_space<smem>>, %arg2: memref<1xi32, #tpu.memory_space<smem>>, %arg3: memref<256xi32, #tpu.memory_space<smem>>) -> (i32, i32, i32, i32) {
    %mul3A = arith.constant 8 : i32
    %mul3A_0 = arith.muli %arg0, %mul3A : i32
    %add3A = arith.constant 1 : i32
    %add3A_1 = arith.addi %mul3A_0, %add3A : i32
    %get3A = arith.index_cast %add3A_1 : i32 to index
    %get3A_2 = memref.load %arg1[%get3A] : memref<256xi32, #tpu.memory_space<smem>>
    %c0_i32 = arith.constant 0 : i32
    %c0_i32_3 = arith.constant 0 : i32
    %c0_i32_4 = arith.constant 0 : i32
    %c0_i32_5 = arith.constant 0 : i32
    return %get3A_2, %c0_i32, %c0_i32_3, %c0_i32_4 : i32, i32, i32, i32
  }
  func.func @transform_5(%arg0: i32, %arg1: memref<256xi32, #tpu.memory_space<smem>>, %arg2: memref<1xi32, #tpu.memory_space<smem>>, %arg3: memref<256xi32, #tpu.memory_space<smem>>) -> (i32, i32, i32, i32) {
    %mul3A = arith.constant 8 : i32
    %mul3A_0 = arith.muli %arg0, %mul3A : i32
    %add3A = arith.constant 2 : i32
    %add3A_1 = arith.addi %mul3A_0, %add3A : i32
    %get3A = arith.index_cast %add3A_1 : i32 to index
    %get3A_2 = memref.load %arg1[%get3A] : memref<256xi32, #tpu.memory_space<smem>>
    %c0_i32 = arith.constant 0 : i32
    %c0_i32_3 = arith.constant 0 : i32
    %c0_i32_4 = arith.constant 0 : i32
    %c0_i32_5 = arith.constant 0 : i32
    return %get3A_2, %c0_i32, %c0_i32_3, %c0_i32_4 : i32, i32, i32, i32
  }
  func.func @transform_6(%arg0: i32, %arg1: memref<256xi32, #tpu.memory_space<smem>>, %arg2: memref<1xi32, #tpu.memory_space<smem>>, %arg3: memref<256xi32, #tpu.memory_space<smem>>) -> (i32, i32, i32, i32) {
    %mul3A = arith.constant 8 : i32
    %mul3A_0 = arith.muli %arg0, %mul3A : i32
    %add3A = arith.constant 3 : i32
    %add3A_1 = arith.addi %mul3A_0, %add3A : i32
    %get3A = arith.index_cast %add3A_1 : i32 to index
    %get3A_2 = memref.load %arg1[%get3A] : memref<256xi32, #tpu.memory_space<smem>>
    %c0_i32 = arith.constant 0 : i32
    %c0_i32_3 = arith.constant 0 : i32
    %c0_i32_4 = arith.constant 0 : i32
    %c0_i32_5 = arith.constant 0 : i32
    return %get3A_2, %c0_i32, %c0_i32_3, %c0_i32_4 : i32, i32, i32, i32
  }
  func.func @transform_7(%arg0: i32, %arg1: memref<256xi32, #tpu.memory_space<smem>>, %arg2: memref<1xi32, #tpu.memory_space<smem>>, %arg3: memref<256xi32, #tpu.memory_space<smem>>) -> (i32, i32, i32, i32) {
    %mul3A = arith.constant 8 : i32
    %mul3A_0 = arith.muli %arg0, %mul3A : i32
    %add3A = arith.constant 4 : i32
    %add3A_1 = arith.addi %mul3A_0, %add3A : i32
    %get3A = arith.index_cast %add3A_1 : i32 to index
    %get3A_2 = memref.load %arg1[%get3A] : memref<256xi32, #tpu.memory_space<smem>>
    %c0_i32 = arith.constant 0 : i32
    %c0_i32_3 = arith.constant 0 : i32
    %c0_i32_4 = arith.constant 0 : i32
    %c0_i32_5 = arith.constant 0 : i32
    return %get3A_2, %c0_i32, %c0_i32_3, %c0_i32_4 : i32, i32, i32, i32
  }
  func.func @transform_8(%arg0: i32, %arg1: memref<256xi32, #tpu.memory_space<smem>>, %arg2: memref<1xi32, #tpu.memory_space<smem>>, %arg3: memref<256xi32, #tpu.memory_space<smem>>) -> (i32, i32, i32, i32) {
    %mul3A = arith.constant 8 : i32
    %mul3A_0 = arith.muli %arg0, %mul3A : i32
    %add3A = arith.constant 5 : i32
    %add3A_1 = arith.addi %mul3A_0, %add3A : i32
    %get3A = arith.index_cast %add3A_1 : i32 to index
    %get3A_2 = memref.load %arg1[%get3A] : memref<256xi32, #tpu.memory_space<smem>>
    %c0_i32 = arith.constant 0 : i32
    %c0_i32_3 = arith.constant 0 : i32
    %c0_i32_4 = arith.constant 0 : i32
    %c0_i32_5 = arith.constant 0 : i32
    return %get3A_2, %c0_i32, %c0_i32_3, %c0_i32_4 : i32, i32, i32, i32
  }
  func.func @transform_9(%arg0: i32, %arg1: memref<256xi32, #tpu.memory_space<smem>>, %arg2: memref<1xi32, #tpu.memory_space<smem>>, %arg3: memref<256xi32, #tpu.memory_space<smem>>) -> (i32, i32, i32, i32) {
    %mul3A = arith.constant 8 : i32
    %mul3A_0 = arith.muli %arg0, %mul3A : i32
    %add3A = arith.constant 6 : i32
    %add3A_1 = arith.addi %mul3A_0, %add3A : i32
    %get3A = arith.index_cast %add3A_1 : i32 to index
    %get3A_2 = memref.load %arg1[%get3A] : memref<256xi32, #tpu.memory_space<smem>>
    %c0_i32 = arith.constant 0 : i32
    %c0_i32_3 = arith.constant 0 : i32
    %c0_i32_4 = arith.constant 0 : i32
    %c0_i32_5 = arith.constant 0 : i32
    return %get3A_2, %c0_i32, %c0_i32_3, %c0_i32_4 : i32, i32, i32, i32
  }
  func.func @transform_10(%arg0: i32, %arg1: memref<256xi32, #tpu.memory_space<smem>>, %arg2: memref<1xi32, #tpu.memory_space<smem>>, %arg3: memref<256xi32, #tpu.memory_space<smem>>) -> (i32, i32, i32, i32) {
    %mul3A = arith.constant 8 : i32
    %mul3A_0 = arith.muli %arg0, %mul3A : i32
    %add3A = arith.constant 7 : i32
    %add3A_1 = arith.addi %mul3A_0, %add3A : i32
    %get3A = arith.index_cast %add3A_1 : i32 to index
    %get3A_2 = memref.load %arg1[%get3A] : memref<256xi32, #tpu.memory_space<smem>>
    %c0_i32 = arith.constant 0 : i32
    %c0_i32_3 = arith.constant 0 : i32
    %c0_i32_4 = arith.constant 0 : i32
    %c0_i32_5 = arith.constant 0 : i32
    return %get3A_2, %c0_i32, %c0_i32_3, %c0_i32_4 : i32, i32, i32, i32
  }
  func.func @transform_11(%arg0: i32, %arg1: memref<256xi32, #tpu.memory_space<smem>>, %arg2: memref<1xi32, #tpu.memory_space<smem>>, %arg3: memref<256xi32, #tpu.memory_space<smem>>) -> (i32, i32, i32, i32) {
    %mul3A = arith.constant 8 : i32
    %mul3A_0 = arith.muli %arg0, %mul3A : i32
    %add3A = arith.constant 0 : i32
    %add3A_1 = arith.addi %mul3A_0, %add3A : i32
    %get3A = arith.index_cast %add3A_1 : i32 to index
    %get3A_2 = memref.load %arg1[%get3A] : memref<256xi32, #tpu.memory_space<smem>>
    %c0_i32 = arith.constant 0 : i32
    %c0_i32_3 = arith.constant 0 : i32
    %c0_i32_4 = arith.constant 0 : i32
    %c0_i32_5 = arith.constant 0 : i32
    return %get3A_2, %c0_i32, %c0_i32_3, %c0_i32_4 : i32, i32, i32, i32
  }
  func.func @transform_12(%arg0: i32, %arg1: memref<256xi32, #tpu.memory_space<smem>>, %arg2: memref<1xi32, #tpu.memory_space<smem>>, %arg3: memref<256xi32, #tpu.memory_space<smem>>) -> (i32, i32, i32, i32) {
    %mul3A = arith.constant 8 : i32
    %mul3A_0 = arith.muli %arg0, %mul3A : i32
    %add3A = arith.constant 1 : i32
    %add3A_1 = arith.addi %mul3A_0, %add3A : i32
    %get3A = arith.index_cast %add3A_1 : i32 to index
    %get3A_2 = memref.load %arg1[%get3A] : memref<256xi32, #tpu.memory_space<smem>>
    %c0_i32 = arith.constant 0 : i32
    %c0_i32_3 = arith.constant 0 : i32
    %c0_i32_4 = arith.constant 0 : i32
    %c0_i32_5 = arith.constant 0 : i32
    return %get3A_2, %c0_i32, %c0_i32_3, %c0_i32_4 : i32, i32, i32, i32
  }
  func.func @transform_13(%arg0: i32, %arg1: memref<256xi32, #tpu.memory_space<smem>>, %arg2: memref<1xi32, #tpu.memory_space<smem>>, %arg3: memref<256xi32, #tpu.memory_space<smem>>) -> (i32, i32, i32, i32) {
    %mul3A = arith.constant 8 : i32
    %mul3A_0 = arith.muli %arg0, %mul3A : i32
    %add3A = arith.constant 2 : i32
    %add3A_1 = arith.addi %mul3A_0, %add3A : i32
    %get3A = arith.index_cast %add3A_1 : i32 to index
    %get3A_2 = memref.load %arg1[%get3A] : memref<256xi32, #tpu.memory_space<smem>>
    %c0_i32 = arith.constant 0 : i32
    %c0_i32_3 = arith.constant 0 : i32
    %c0_i32_4 = arith.constant 0 : i32
    %c0_i32_5 = arith.constant 0 : i32
    return %get3A_2, %c0_i32, %c0_i32_3, %c0_i32_4 : i32, i32, i32, i32
  }
  func.func @transform_14(%arg0: i32, %arg1: memref<256xi32, #tpu.memory_space<smem>>, %arg2: memref<1xi32, #tpu.memory_space<smem>>, %arg3: memref<256xi32, #tpu.memory_space<smem>>) -> (i32, i32, i32, i32) {
    %mul3A = arith.constant 8 : i32
    %mul3A_0 = arith.muli %arg0, %mul3A : i32
    %add3A = arith.constant 3 : i32
    %add3A_1 = arith.addi %mul3A_0, %add3A : i32
    %get3A = arith.index_cast %add3A_1 : i32 to index
    %get3A_2 = memref.load %arg1[%get3A] : memref<256xi32, #tpu.memory_space<smem>>
    %c0_i32 = arith.constant 0 : i32
    %c0_i32_3 = arith.constant 0 : i32
    %c0_i32_4 = arith.constant 0 : i32
    %c0_i32_5 = arith.constant 0 : i32
    return %get3A_2, %c0_i32, %c0_i32_3, %c0_i32_4 : i32, i32, i32, i32
  }
  func.func @transform_15(%arg0: i32, %arg1: memref<256xi32, #tpu.memory_space<smem>>, %arg2: memref<1xi32, #tpu.memory_space<smem>>, %arg3: memref<256xi32, #tpu.memory_space<smem>>) -> (i32, i32, i32, i32) {
    %mul3A = arith.constant 8 : i32
    %mul3A_0 = arith.muli %arg0, %mul3A : i32
    %add3A = arith.constant 4 : i32
    %add3A_1 = arith.addi %mul3A_0, %add3A : i32
    %get3A = arith.index_cast %add3A_1 : i32 to index
    %get3A_2 = memref.load %arg1[%get3A] : memref<256xi32, #tpu.memory_space<smem>>
    %c0_i32 = arith.constant 0 : i32
    %c0_i32_3 = arith.constant 0 : i32
    %c0_i32_4 = arith.constant 0 : i32
    %c0_i32_5 = arith.constant 0 : i32
    return %get3A_2, %c0_i32, %c0_i32_3, %c0_i32_4 : i32, i32, i32, i32
  }
  func.func @transform_16(%arg0: i32, %arg1: memref<256xi32, #tpu.memory_space<smem>>, %arg2: memref<1xi32, #tpu.memory_space<smem>>, %arg3: memref<256xi32, #tpu.memory_space<smem>>) -> (i32, i32, i32, i32) {
    %mul3A = arith.constant 8 : i32
    %mul3A_0 = arith.muli %arg0, %mul3A : i32
    %add3A = arith.constant 5 : i32
    %add3A_1 = arith.addi %mul3A_0, %add3A : i32
    %get3A = arith.index_cast %add3A_1 : i32 to index
    %get3A_2 = memref.load %arg1[%get3A] : memref<256xi32, #tpu.memory_space<smem>>
    %c0_i32 = arith.constant 0 : i32
    %c0_i32_3 = arith.constant 0 : i32
    %c0_i32_4 = arith.constant 0 : i32
    %c0_i32_5 = arith.constant 0 : i32
    return %get3A_2, %c0_i32, %c0_i32_3, %c0_i32_4 : i32, i32, i32, i32
  }
  func.func @transform_17(%arg0: i32, %arg1: memref<256xi32, #tpu.memory_space<smem>>, %arg2: memref<1xi32, #tpu.memory_space<smem>>, %arg3: memref<256xi32, #tpu.memory_space<smem>>) -> (i32, i32, i32, i32) {
    %mul3A = arith.constant 8 : i32
    %mul3A_0 = arith.muli %arg0, %mul3A : i32
    %add3A = arith.constant 6 : i32
    %add3A_1 = arith.addi %mul3A_0, %add3A : i32
    %get3A = arith.index_cast %add3A_1 : i32 to index
    %get3A_2 = memref.load %arg1[%get3A] : memref<256xi32, #tpu.memory_space<smem>>
    %c0_i32 = arith.constant 0 : i32
    %c0_i32_3 = arith.constant 0 : i32
    %c0_i32_4 = arith.constant 0 : i32
    %c0_i32_5 = arith.constant 0 : i32
    return %get3A_2, %c0_i32, %c0_i32_3, %c0_i32_4 : i32, i32, i32, i32
  }
  func.func @transform_18(%arg0: i32, %arg1: memref<256xi32, #tpu.memory_space<smem>>, %arg2: memref<1xi32, #tpu.memory_space<smem>>, %arg3: memref<256xi32, #tpu.memory_space<smem>>) -> (i32, i32, i32, i32) {
    %mul3A = arith.constant 8 : i32
    %mul3A_0 = arith.muli %arg0, %mul3A : i32
    %add3A = arith.constant 7 : i32
    %add3A_1 = arith.addi %mul3A_0, %add3A : i32
    %get3A = arith.index_cast %add3A_1 : i32 to index
    %get3A_2 = memref.load %arg1[%get3A] : memref<256xi32, #tpu.memory_space<smem>>
    %c0_i32 = arith.constant 0 : i32
    %c0_i32_3 = arith.constant 0 : i32
    %c0_i32_4 = arith.constant 0 : i32
    %c0_i32_5 = arith.constant 0 : i32
    return %get3A_2, %c0_i32, %c0_i32_3, %c0_i32_4 : i32, i32, i32, i32
  }
  func.func @transform_19(%arg0: i32, %arg1: memref<256xi32, #tpu.memory_space<smem>>, %arg2: memref<1xi32, #tpu.memory_space<smem>>, %arg3: memref<256xi32, #tpu.memory_space<smem>>) -> (i32, i32) {
    %c0_i32 = arith.constant 0 : i32
    %c0_i32_0 = arith.constant 0 : i32
    %c0_i32_1 = arith.constant 0 : i32
    return %c0_i32, %c0_i32_0 : i32, i32
  }
}

module attributes {stable_mosaic.version = 14 : i64} {
  func.func @_proj_kernel(%arg0: i32, %arg1: memref<1x4096xf32, #tpu.memory_space<vmem>>, %arg2: memref<128x4096xf32, #tpu.memory_space<vmem>>, %arg3: memref<128x4096xf32, #tpu.memory_space<vmem>>, %arg4: memref<128x4096xf32, #tpu.memory_space<vmem>>, %arg5: memref<128x4096xf32, #tpu.memory_space<vmem>>, %arg6: memref<128x4096xf32, #tpu.memory_space<vmem>>, %arg7: memref<128x4096xf32, #tpu.memory_space<vmem>>, %arg8: memref<128x4096xf32, #tpu.memory_space<vmem>>, %arg9: memref<128x4096xf32, #tpu.memory_space<vmem>>, %arg10: memref<1x128xf32, #tpu.memory_space<vmem>>, %arg11: memref<1x128xf32, #tpu.memory_space<vmem>>, %arg12: memref<8x128xf32, #tpu.memory_space<vmem>>) attributes {dimension_semantics = [#tpu.dimension_semantics<arbitrary>], iteration_bounds = array<i64: 4>, scalar_prefetch = 0 : i64, scratch_operands = 0 : i64, tpu.core_type = #tpu.core_type<tc>, window_params = [{pipeline_mode = #tpu.pipeline_mode<synchronous>, transform_indices = @transform_0, window_bounds = array<i64: 1, 4096>}, {transform_indices = @transform_1, window_bounds = array<i64: 128, 4096>}, {transform_indices = @transform_2, window_bounds = array<i64: 128, 4096>}, {transform_indices = @transform_3, window_bounds = array<i64: 128, 4096>}, {transform_indices = @transform_4, window_bounds = array<i64: 128, 4096>}, {transform_indices = @transform_5, window_bounds = array<i64: 128, 4096>}, {transform_indices = @transform_6, window_bounds = array<i64: 128, 4096>}, {transform_indices = @transform_7, window_bounds = array<i64: 128, 4096>}, {transform_indices = @transform_8, window_bounds = array<i64: 128, 4096>}, {pipeline_mode = #tpu.pipeline_mode<synchronous>, transform_indices = @transform_9, window_bounds = array<i64: 1, 128>}, {pipeline_mode = #tpu.pipeline_mode<synchronous>, transform_indices = @transform_10, window_bounds = array<i64: 1, 128>}, {transform_indices = @transform_11, window_bounds = array<i64: 8, 128>}]} {
    %get3A = arith.constant 0 : index
    %get3A_0 = arith.constant 0 : index
    %get3A_1 = vector.load %arg1[%get3A, %get3A_0] : memref<1x4096xf32, #tpu.memory_space<vmem>>, vector<1x4096xf32>
    %get3A_2 = arith.constant 0 : index
    %get3A_3 = arith.constant 0 : index
    %get3A_4 = vector.load %arg2[%get3A_2, %get3A_3] : memref<128x4096xf32, #tpu.memory_space<vmem>>, vector<128x4096xf32>
    %dot_general3A = arith.constant dense<0.000000e+00> : vector<1x128xf32>
    %dot_general3A_5 = tpu.matmul %get3A_1, %get3A_4, %dot_general3A {dimension_numbers = #tpu.dot_dimension_numbers<[1], [1], [0], [0], [0, 0, 1, 0], [], []>, transpose_lhs_hint = false} : vector<1x4096xf32>, vector<128x4096xf32>, vector<1x128xf32> -> vector<1x128xf32>
    %swap3A = arith.constant 0 : index
    %swap3A_6 = arith.constant 0 : index
    %swap3A_7 = vector.load %arg12[%swap3A, %swap3A_6] : memref<8x128xf32, #tpu.memory_space<vmem>>, vector<1x128xf32>
    tpu.vector_store %arg12[%swap3A, %swap3A_6], %dot_general3A_5 {strides = array<i32>} : memref<8x128xf32, #tpu.memory_space<vmem>>, vector<1x128xf32>,
    %get3A_8 = arith.constant 0 : index
    %get3A_9 = arith.constant 0 : index
    %get3A_10 = vector.load %arg1[%get3A_8, %get3A_9] : memref<1x4096xf32, #tpu.memory_space<vmem>>, vector<1x4096xf32>
    %get3A_11 = arith.constant 0 : index
    %get3A_12 = arith.constant 0 : index
    %get3A_13 = vector.load %arg3[%get3A_11, %get3A_12] : memref<128x4096xf32, #tpu.memory_space<vmem>>, vector<128x4096xf32>
    %dot_general3A_14 = arith.constant dense<0.000000e+00> : vector<1x128xf32>
    %dot_general3A_15 = tpu.matmul %get3A_10, %get3A_13, %dot_general3A_14 {dimension_numbers = #tpu.dot_dimension_numbers<[1], [1], [0], [0], [0, 0, 1, 0], [], []>, transpose_lhs_hint = false} : vector<1x4096xf32>, vector<128x4096xf32>, vector<1x128xf32> -> vector<1x128xf32>
    %swap3A_16 = arith.constant 1 : index
    %swap3A_17 = arith.constant 0 : index
    %swap3A_18 = vector.load %arg12[%swap3A_16, %swap3A_17] : memref<8x128xf32, #tpu.memory_space<vmem>>, vector<1x128xf32>
    tpu.vector_store %arg12[%swap3A_16, %swap3A_17], %dot_general3A_15 {strides = array<i32>} : memref<8x128xf32, #tpu.memory_space<vmem>>, vector<1x128xf32>,
    %get3A_19 = arith.constant 0 : index
    %get3A_20 = arith.constant 0 : index
    %get3A_21 = vector.load %arg1[%get3A_19, %get3A_20] : memref<1x4096xf32, #tpu.memory_space<vmem>>, vector<1x4096xf32>
    %get3A_22 = arith.constant 0 : index
    %get3A_23 = arith.constant 0 : index
    %get3A_24 = vector.load %arg4[%get3A_22, %get3A_23] : memref<128x4096xf32, #tpu.memory_space<vmem>>, vector<128x4096xf32>
    %dot_general3A_25 = arith.constant dense<0.000000e+00> : vector<1x128xf32>
    %dot_general3A_26 = tpu.matmul %get3A_21, %get3A_24, %dot_general3A_25 {dimension_numbers = #tpu.dot_dimension_numbers<[1], [1], [0], [0], [0, 0, 1, 0], [], []>, transpose_lhs_hint = false} : vector<1x4096xf32>, vector<128x4096xf32>, vector<1x128xf32> -> vector<1x128xf32>
    %swap3A_27 = arith.constant 2 : index
    %swap3A_28 = arith.constant 0 : index
    %swap3A_29 = vector.load %arg12[%swap3A_27, %swap3A_28] : memref<8x128xf32, #tpu.memory_space<vmem>>, vector<1x128xf32>
    tpu.vector_store %arg12[%swap3A_27, %swap3A_28], %dot_general3A_26 {strides = array<i32>} : memref<8x128xf32, #tpu.memory_space<vmem>>, vector<1x128xf32>,
    %get3A_30 = arith.constant 0 : index
    %get3A_31 = arith.constant 0 : index
    %get3A_32 = vector.load %arg1[%get3A_30, %get3A_31] : memref<1x4096xf32, #tpu.memory_space<vmem>>, vector<1x4096xf32>
    %get3A_33 = arith.constant 0 : index
    %get3A_34 = arith.constant 0 : index
    %get3A_35 = vector.load %arg5[%get3A_33, %get3A_34] : memref<128x4096xf32, #tpu.memory_space<vmem>>, vector<128x4096xf32>
    %dot_general3A_36 = arith.constant dense<0.000000e+00> : vector<1x128xf32>
    %dot_general3A_37 = tpu.matmul %get3A_32, %get3A_35, %dot_general3A_36 {dimension_numbers = #tpu.dot_dimension_numbers<[1], [1], [0], [0], [0, 0, 1, 0], [], []>, transpose_lhs_hint = false} : vector<1x4096xf32>, vector<128x4096xf32>, vector<1x128xf32> -> vector<1x128xf32>
    %swap3A_38 = arith.constant 3 : index
    %swap3A_39 = arith.constant 0 : index
    %swap3A_40 = vector.load %arg12[%swap3A_38, %swap3A_39] : memref<8x128xf32, #tpu.memory_space<vmem>>, vector<1x128xf32>
    tpu.vector_store %arg12[%swap3A_38, %swap3A_39], %dot_general3A_37 {strides = array<i32>} : memref<8x128xf32, #tpu.memory_space<vmem>>, vector<1x128xf32>,
    %get3A_41 = arith.constant 0 : index
    %get3A_42 = arith.constant 0 : index
    %get3A_43 = vector.load %arg1[%get3A_41, %get3A_42] : memref<1x4096xf32, #tpu.memory_space<vmem>>, vector<1x4096xf32>
    %get3A_44 = arith.constant 0 : index
    %get3A_45 = arith.constant 0 : index
    %get3A_46 = vector.load %arg6[%get3A_44, %get3A_45] : memref<128x4096xf32, #tpu.memory_space<vmem>>, vector<128x4096xf32>
    %dot_general3A_47 = arith.constant dense<0.000000e+00> : vector<1x128xf32>
    %dot_general3A_48 = tpu.matmul %get3A_43, %get3A_46, %dot_general3A_47 {dimension_numbers = #tpu.dot_dimension_numbers<[1], [1], [0], [0], [0, 0, 1, 0], [], []>, transpose_lhs_hint = false} : vector<1x4096xf32>, vector<128x4096xf32>, vector<1x128xf32> -> vector<1x128xf32>
    %swap3A_49 = arith.constant 4 : index
    %swap3A_50 = arith.constant 0 : index
    %swap3A_51 = vector.load %arg12[%swap3A_49, %swap3A_50] : memref<8x128xf32, #tpu.memory_space<vmem>>, vector<1x128xf32>
    tpu.vector_store %arg12[%swap3A_49, %swap3A_50], %dot_general3A_48 {strides = array<i32>} : memref<8x128xf32, #tpu.memory_space<vmem>>, vector<1x128xf32>,
    %get3A_52 = arith.constant 0 : index
    %get3A_53 = arith.constant 0 : index
    %get3A_54 = vector.load %arg1[%get3A_52, %get3A_53] : memref<1x4096xf32, #tpu.memory_space<vmem>>, vector<1x4096xf32>
    %get3A_55 = arith.constant 0 : index
    %get3A_56 = arith.constant 0 : index
    %get3A_57 = vector.load %arg7[%get3A_55, %get3A_56] : memref<128x4096xf32, #tpu.memory_space<vmem>>, vector<128x4096xf32>
    %dot_general3A_58 = arith.constant dense<0.000000e+00> : vector<1x128xf32>
    %dot_general3A_59 = tpu.matmul %get3A_54, %get3A_57, %dot_general3A_58 {dimension_numbers = #tpu.dot_dimension_numbers<[1], [1], [0], [0], [0, 0, 1, 0], [], []>, transpose_lhs_hint = false} : vector<1x4096xf32>, vector<128x4096xf32>, vector<1x128xf32> -> vector<1x128xf32>
    %swap3A_60 = arith.constant 5 : index
    %swap3A_61 = arith.constant 0 : index
    %swap3A_62 = vector.load %arg12[%swap3A_60, %swap3A_61] : memref<8x128xf32, #tpu.memory_space<vmem>>, vector<1x128xf32>
    tpu.vector_store %arg12[%swap3A_60, %swap3A_61], %dot_general3A_59 {strides = array<i32>} : memref<8x128xf32, #tpu.memory_space<vmem>>, vector<1x128xf32>,
    %get3A_63 = arith.constant 0 : index
    %get3A_64 = arith.constant 0 : index
    %get3A_65 = vector.load %arg1[%get3A_63, %get3A_64] : memref<1x4096xf32, #tpu.memory_space<vmem>>, vector<1x4096xf32>
    %get3A_66 = arith.constant 0 : index
    %get3A_67 = arith.constant 0 : index
    %get3A_68 = vector.load %arg8[%get3A_66, %get3A_67] : memref<128x4096xf32, #tpu.memory_space<vmem>>, vector<128x4096xf32>
    %dot_general3A_69 = arith.constant dense<0.000000e+00> : vector<1x128xf32>
    %dot_general3A_70 = tpu.matmul %get3A_65, %get3A_68, %dot_general3A_69 {dimension_numbers = #tpu.dot_dimension_numbers<[1], [1], [0], [0], [0, 0, 1, 0], [], []>, transpose_lhs_hint = false} : vector<1x4096xf32>, vector<128x4096xf32>, vector<1x128xf32> -> vector<1x128xf32>
    %swap3A_71 = arith.constant 6 : index
    %swap3A_72 = arith.constant 0 : index
    %swap3A_73 = vector.load %arg12[%swap3A_71, %swap3A_72] : memref<8x128xf32, #tpu.memory_space<vmem>>, vector<1x128xf32>
    tpu.vector_store %arg12[%swap3A_71, %swap3A_72], %dot_general3A_70 {strides = array<i32>} : memref<8x128xf32, #tpu.memory_space<vmem>>, vector<1x128xf32>,
    %get3A_74 = arith.constant 0 : index
    %get3A_75 = arith.constant 0 : index
    %get3A_76 = vector.load %arg1[%get3A_74, %get3A_75] : memref<1x4096xf32, #tpu.memory_space<vmem>>, vector<1x4096xf32>
    %get3A_77 = arith.constant 0 : index
    %get3A_78 = arith.constant 0 : index
    %get3A_79 = vector.load %arg9[%get3A_77, %get3A_78] : memref<128x4096xf32, #tpu.memory_space<vmem>>, vector<128x4096xf32>
    %dot_general3A_80 = arith.constant dense<0.000000e+00> : vector<1x128xf32>
    %dot_general3A_81 = tpu.matmul %get3A_76, %get3A_79, %dot_general3A_80 {dimension_numbers = #tpu.dot_dimension_numbers<[1], [1], [0], [0], [0, 0, 1, 0], [], []>, transpose_lhs_hint = false} : vector<1x4096xf32>, vector<128x4096xf32>, vector<1x128xf32> -> vector<1x128xf32>
    %swap3A_82 = arith.constant 7 : index
    %swap3A_83 = arith.constant 0 : index
    %swap3A_84 = vector.load %arg12[%swap3A_82, %swap3A_83] : memref<8x128xf32, #tpu.memory_space<vmem>>, vector<1x128xf32>
    tpu.vector_store %arg12[%swap3A_82, %swap3A_83], %dot_general3A_81 {strides = array<i32>} : memref<8x128xf32, #tpu.memory_space<vmem>>, vector<1x128xf32>,
    return
  }
  func.func @transform_0(%arg0: i32) -> (i32, i32) {
    %c0_i32 = arith.constant 0 : i32
    %c0_i32_0 = arith.constant 0 : i32
    %c0_i32_1 = arith.constant 0 : i32
    return %c0_i32, %c0_i32_0 : i32, i32
  }
  func.func @transform_1(%arg0: i32) -> (i32, i32) {
    %add3A = arith.constant 0 : i32
    %add3A_0 = arith.addi %add3A, %arg0 : i32
    %c0_i32 = arith.constant 0 : i32
    %c0_i32_1 = arith.constant 0 : i32
    return %add3A_0, %c0_i32 : i32, i32
  }
  func.func @transform_2(%arg0: i32) -> (i32, i32) {
    %add3A = arith.constant 4 : i32
    %add3A_0 = arith.addi %add3A, %arg0 : i32
    %c0_i32 = arith.constant 0 : i32
    %c0_i32_1 = arith.constant 0 : i32
    return %add3A_0, %c0_i32 : i32, i32
  }
  func.func @transform_3(%arg0: i32) -> (i32, i32) {
    %add3A = arith.constant 8 : i32
    %add3A_0 = arith.addi %add3A, %arg0 : i32
    %c0_i32 = arith.constant 0 : i32
    %c0_i32_1 = arith.constant 0 : i32
    return %add3A_0, %c0_i32 : i32, i32
  }
  func.func @transform_4(%arg0: i32) -> (i32, i32) {
    %add3A = arith.constant 12 : i32
    %add3A_0 = arith.addi %add3A, %arg0 : i32
    %c0_i32 = arith.constant 0 : i32
    %c0_i32_1 = arith.constant 0 : i32
    return %add3A_0, %c0_i32 : i32, i32
  }
  func.func @transform_5(%arg0: i32) -> (i32, i32) {
    %add3A = arith.constant 16 : i32
    %add3A_0 = arith.addi %add3A, %arg0 : i32
    %c0_i32 = arith.constant 0 : i32
    %c0_i32_1 = arith.constant 0 : i32
    return %add3A_0, %c0_i32 : i32, i32
  }
  func.func @transform_6(%arg0: i32) -> (i32, i32) {
    %add3A = arith.constant 20 : i32
    %add3A_0 = arith.addi %add3A, %arg0 : i32
    %c0_i32 = arith.constant 0 : i32
    %c0_i32_1 = arith.constant 0 : i32
    return %add3A_0, %c0_i32 : i32, i32
  }
  func.func @transform_7(%arg0: i32) -> (i32, i32) {
    %add3A = arith.constant 24 : i32
    %add3A_0 = arith.addi %add3A, %arg0 : i32
    %c0_i32 = arith.constant 0 : i32
    %c0_i32_1 = arith.constant 0 : i32
    return %add3A_0, %c0_i32 : i32, i32
  }
  func.func @transform_8(%arg0: i32) -> (i32, i32) {
    %add3A = arith.constant 28 : i32
    %add3A_0 = arith.addi %add3A, %arg0 : i32
    %c0_i32 = arith.constant 0 : i32
    %c0_i32_1 = arith.constant 0 : i32
    return %add3A_0, %c0_i32 : i32, i32
  }
  func.func @transform_9(%arg0: i32) -> (i32, i32) {
    %c0_i32 = arith.constant 0 : i32
    %c0_i32_0 = arith.constant 0 : i32
    %c0_i32_1 = arith.constant 0 : i32
    return %c0_i32, %c0_i32_0 : i32, i32
  }
  func.func @transform_10(%arg0: i32) -> (i32, i32) {
    %c0_i32 = arith.constant 0 : i32
    %c0_i32_0 = arith.constant 0 : i32
    %c0_i32_1 = arith.constant 0 : i32
    return %c0_i32, %c0_i32_0 : i32, i32
  }
  func.func @transform_11(%arg0: i32) -> (i32, i32) {
    %c0_i32 = arith.constant 0 : i32
    %c0_i32_0 = arith.constant 0 : i32
    return %c0_i32, %arg0 : i32, i32
  }
}

</mosaic_0001>

<sc_bundles>
// kernel: kernel.8.cloned.1.call-start
scs
__scs_entry_jumppad:
0x0: {  	(pc) =	sbr.rel $0x88, $3  }
0x1: {  	(tag) =	ssettag $0x0;
	lr =	simm.s32 $0x1  }
0x2: {  	[smem:$0x3F98] =	sst lr;
	_ =	strace $0xD0000000  }
0x3: {  	_ = 	snop  }
0x4: {  	_ = 	snop  }
0x5: {  	_ = 	snop  }
0x6: {  	_ = 	snop  }
0x7: {  	_ = 	snop  }
__scs_overlays_trampoline_lowered:
0x8: {  	[smem:$0x3FA7] =	sst s0  }
0x9: {  	[smem:$0x3FA8] =	sst s1  }
0xa: {  	[smem:$0x3FA9] =	sst s2  }
0xb: {  	[smem:$0x3FAA] =	sst s3  }
0xc: {  	[smem:$0x3FAB] =	sst s4  }
0xd: {  	[smem:$0x3FAC] =	sst s5  }
0xe: {  	[smem:$0x3FAD] =	sst s6  }
0xf: {  	[smem:$0x3FAE] =	sst s7  }
0x10: {  	[smem:$0x3FAF] =	sst s8  }
0x11: {  	[smem:$0x3FB0] =	sst s9;
	s0 =	simm.s32 @!p0 $0x0  }
0x12: {  	s1 =	sld [smem:$0x3F96];
	s0 =	simm.s32 @p0 $0x1  }
0x13: {  	[smem:$0x3FB1] =	sst s0;
	s0 =	simm.s32 @!p1 $0x0  }
0x14: {  	s2 =	sld [smem:$0x3F95];
	s0 =	simm.s32 @p1 $0x1  }
0x15: {  	[smem:$0x3FB2] =	sst s0;
	s0 =	simm.s32 @!p2 $0x0  }
0x16: {  	s3 =	sld [smem:$0x3FDB];
	s0 =	simm.s32 @p2 $0x1  }
0x17: {  	s4 =	simm.s32 $0x1BF5;
	[smem:$0x3FB4] =	sst s0  }
0x18: {  	s0 =	sld [smem:$0x3F97];
	_ =	swait.ge [sflag:s4], $0x0  }
0x19: {  	s7 =	sld [smem:$0x3F98]  }
0x1a: {  	s8 =	sadd.s32 $0xFFFFE003, lr  }
0x1b: {  	s9 =	sadd.s32 $0xFFFFFEF7, lr;
	s5 =	simm.s32 $0xFFFFFFFF;
	p2 =	slt.u32 s8, $0xFFFFF086  }
0x1c: {  	p1 =	slt.u32 s9, $0xF7A;
	s5 =	simm.s32 @!p2 $0x0  }
0x1d: {  	s5 =	simm.s32 @p1 $0x1;
	p0 =	seq.s32 s7, s2  }
0x1e: {  	s7 =	smul.u32 @!p0 $0xF7A, s2;
	p2 =	seq.s32 @!p0 s5, $0x0  }
0x1f: {  	s9 =	smul.u32 $0xF7A, s1;
	s8 =	simm.s32 @!p0 $0x1BF5;
	p2 =	por !p2, p0  }
0x20: {  	[sflag:s8] =	ssyncset.s32 @!p0 $0xFFFFF086;
	s6 =	sadd.s32 @!p0 s3, s7;
	s7 =	simm.s32 @!p0 $0x108  }
0x21: {  	s3 =	sadd.s32 s3, s9;
	s6 =	sadd.s32 @!p0 $0x88, s6;
	s7 =	simm.s32 @p2 $0x1082  }
0x22: {  	[simem:s7], [sflag:s8] =	dma.local @!p0 [hbm:s6], $0xF7A  }
0x23: {  	s9 =	sor.u32 $0xD0000000, s2;
	s6 =	simm.s32 $0x108;
	_ =	swait.ge @!p0 [sflag:s8], $0x0  }
0x24: {  	s3 =	sadd.s32 $0x88, s3;
	s6 =	simm.s32 @!p1 $0x1082;
	[sflag:s4] =	ssyncset.s32 $0xFFFFF086  }
0x25: {  	[simem:s6], [sflag:s4] =	dma.local [hbm:s3], $0xF7A  }
0x26: {  	[smem:$0x3F98] =	sst s1;
	(tag) =	ssettag s2;
	_ =	strace s9  }
0x27: {  	s1 =	sld [smem:$0x3FA8]  }
0x28: {  	s2 =	sld [smem:$0x3FA9]  }
0x29: {  	s4 =	sld [smem:$0x3FAB]  }
0x2a: {  	p0 =	seq.s32 s5, $0x0;
	s5 =	sld [smem:$0x3FAC]  }
0x2b: {  	s6 =	sld [smem:$0x3FAD]  }
0x2c: {  	s7 =	sld [smem:$0x3FAE]  }
0x2d: {  	s3 =	simm.s32 $0x108;
	s8 =	sld [smem:$0x3FAF]  }
0x2e: {  	s3 =	simm.s32 @!p0 $0x1082;
	s9 =	sld [smem:$0x3FB0]  }
0x2f: {  	lr =	sadd.s32 s0, s3;
	s0 =	sld [smem:$0x3FA7]  }
0x30: {  	s3 =	sld [smem:$0x3FAA]  }
0x31: {  	[smem:$0x3FB3] =	sst s10  }
0x32: {  	s10 =	sld [smem:$0x3FB1];
	_ =	sdelay $0x3  }
0x33: {  	p0 =	seq.s32 s10, $0x1;
	s10 =	sld [smem:$0x3FB3];
	_ =	sdelay $0x3  }
0x34: {  	[smem:$0x3FB3] =	sst s10  }
0x35: {  	s10 =	sld [smem:$0x3FB2];
	_ =	sdelay $0x3  }
0x36: {  	p1 =	seq.s32 s10, $0x1;
	s10 =	sld [smem:$0x3FB3];
	_ =	sdelay $0x3  }
0x37: {  	[smem:$0x3FB3] =	sst s10  }
0x38: {  	s10 =	sld [smem:$0x3FB4]  }
0x39: {  	_ = 	snop;
	(pc) =	sbr.ind lr, $3  }
0x3a: {  	_ = 	snop  }
0x3b: {  	_ = 	snop  }
0x3c: {  	p2 =	seq.s32 s10, $0x1;
	s10 =	sld [smem:$0x3FB3]  }
0x3d: {  	_ =	shalt  }
0x3e: {  	_ =	shalt  }
0x3f: {  	_ =	shalt  }
0x40: {  	_ =	shalt  }
0x41: {  	_ =	shalt  }
0x42: {  	_ =	shalt  }
0x43: {  	_ =	shalt  }
0x44: {  	_ =	shalt  }
0x45: {  	_ =	shalt  }
0x46: {  	_ =	shalt  }
0x47: {  	_ =	shalt  }
0x48: {  	_ =	shalt  }
0x49: {  	_ =	shalt  }
0x4a: {  	_ =	shalt  }
0x4b: {  	_ =	shalt  }
0x4c: {  	_ =	shalt  }
0x4d: {  	_ =	shalt  }
0x4e: {  	_ =	shalt  }
0x4f: {  	_ =	shalt  }
0x50: {  	_ =	shalt  }
0x51: {  	_ =	shalt  }
0x52: {  	_ =	shalt  }
0x53: {  	_ =	shalt  }
0x54: {  	_ =	shalt  }
0x55: {  	_ =	shalt  }
0x56: {  	_ =	shalt  }
0x57: {  	_ =	shalt  }
0x58: {  	_ =	shalt  }
0x59: {  	_ =	shalt  }
0x5a: {  	_ =	shalt  }
0x5b: {  	_ =	shalt  }
0x5c: {  	_ =	shalt  }
0x5d: {  	_ =	shalt  }
0x5e: {  	_ =	shalt  }
0x5f: {  	_ =	shalt  }
0x60: {  	_ =	shalt  }
0x61: {  	_ =	shalt  }
0x62: {  	_ =	shalt  }
0x63: {  	_ =	shalt  }
0x64: {  	_ =	shalt  }
0x65: {  	_ =	shalt  }
0x66: {  	_ =	shalt  }
0x67: {  	_ =	shalt  }
0x68: {  	_ =	shalt  }
0x69: {  	_ =	shalt  }
0x6a: {  	_ =	shalt  }
0x6b: {  	_ =	shalt  }
0x6c: {  	_ =	shalt  }
0x6d: {  	_ =	shalt  }
0x6e: {  	_ =	shalt  }
0x6f: {  	_ =	shalt  }
0x70: {  	_ =	shalt  }
0x71: {  	_ =	shalt  }
0x72: {  	_ =	shalt  }
0x73: {  	_ =	shalt  }
0x74: {  	_ =	shalt  }
0x75: {  	_ =	shalt  }
0x76: {  	_ =	shalt  }
0x77: {  	_ =	shalt  }
0x78: {  	_ =	shalt  }
0x79: {  	_ =	shalt  }
0x7a: {  	_ =	shalt  }
0x7b: {  	_ =	shalt  }
0x7c: {  	_ =	shalt  }
0x7d: {  	_ =	shalt  }
0x7e: {  	_ =	shalt  }
0x7f: {  	_ =	shalt  }
0x80: {  	_ =	shalt  }
0x81: {  	_ =	shalt  }
0x82: {  	_ =	shalt  }
0x83: {  	_ =	shalt  }
0x84: {  	_ =	shalt  }
0x85: {  	_ =	shalt  }
0x86: {  	_ =	shalt  }
0x87: {  	_ =	shalt  }
.Lfunc_end0:
.L_simem_size_0:
called_computation_lowered:
.L_overlay_start_0:
0x88: {  	s2 =	sld [smem:$0x3FD9]  }
0x89: {  	s3 =	sld [smem:$0x3FFE];
	_ =	sdelay $0x1  }
0x8a: {  	s1 =	srdreg.scid  }
0x8b: {  	s0 =	sand.u32 $0x1, s1  }
0x8c: {  	s17 =	sshll.u32 s0, $0xA;
	s2 =	sadd.s32 s3, s2  }
0x8d: {  	s2 =	sadd.s32 s2, s17  }
0x8e: {  	[smem:$0x3FBF] =	sst s2  }
0x8f: {  	_ = 	snop  }
0x90: {  	s2 =	sld [smem:$0x3FC4]  }
0x91: {  	s18 =	sld [smem:$0x3FC3];
	(tm) =	ssettm $0x1  }
0x92: {  	s4 =	sld [smem:$0x3FFB];
	_ =	sdelay $0x3  }
0x93: {  	_ =	strace s4  }
0x94: {  	s4 =	sld [smem:$0x3FFC];
	_ =	sdelay $0x3  }
0x95: {  	_ =	strace s4  }
0x96: {  	s4 =	sld [smem:$0x3FFD];
	_ =	sdelay $0x3  }
0x97: {  	_ =	strace s4  }
0x98: {  	_ =	strace $0x8FFFFFFF  }
0x99: {  	s19 =	sld [smem:$0x3FDB];
	_ =	sdelay $0x1  }
0x9a: {  	s5 =	simm.s32 $_scs_section_size  }
0x9b: {  	s6 =	simm.s32 $_size__tile_overlayer_lowered;
	s7 =	simm.s32 $_tile_overlayer_lowered  }
0x9c: {  	s22 =	simm.s32 $0x1BFF;
	s21 =	sshll.u32 s7, $0x1;
	s4 =	sadd.s32 s5, s19  }
0x9d: {  	s8 =	simm.s32 $0x0;
	s20 =	sshll.u32 s6, $0x1;
	s6 =	sadd.s32 s21, s4  }
0x9e: {  	[timem:s8], [sflag:s22] =	dma.local [hbm:s6], s20  }
0x9f: {  	_ =	swait.ge [sflag:s22], s20  }
0xa0: {  	s5 =	ssub.s32 $0x0, s20;
	[sflag:s22] =	ssyncset.done $0x0  }
0xa1: {  	[sflag:s22] =	ssyncadd.s32 s5;
	_ =	sdelay $0x1  }
0xa2: {  	s23 =	simm.s32 $0x1B8B  }
0xa3: {  	_ =	swait.ge [sflag:s23], $0x1  }
0xa4: {  	[sflag:s23] =	ssyncset.done $0x0  }
0xa5: {  	s25 =	simm.s32 $0x1B8E;
	s24 =	sld [smem:$0x3FFE];
	[sflag:s23] =	ssyncadd.s32 $0xFFFFFFFF  }
0xa6: {  	s26 =	simm.s32 $execute0_lowered;
	[smem:$0x3FD2] =	sst s25  }
0xa7: {  	s6 =	sshll.u32 s26, $0x1;
	_ =	strace $0x80000046;
	[dreg:$0x1] =	wrdreg $0xFFFFFFFF  }
0xa8: {  	s28 =	simm.s32 $_size_execute0_lowered;
	s4 =	sadd.s32 s4, s6;
	[dreg:$0x0] =	wrdreg $0x0  }
0xa9: {  	s6 =	sshll.u32 s28, $0x1;
	[dreg:$0x2] =	wrdreg s4  }
0xaa: {  	[dreg:$0x3] =	wrdreg s6  }
0xab: {  	[dreg:$0x4] =	wrdreg $0xC0  }
0xac: {  	_ =	task [dreg:s8], $0x5FFFF  }
0xad: {  	[dreg:$0x1] =	wrdreg $0xFFFFFFFF  }
0xae: {  	[dreg:$0x0] =	wrdreg $0x60  }
0xaf: {  	[dreg:$0x2] =	wrdreg s24  }
0xb0: {  	[dreg:$0x3] =	wrdreg s2  }
0xb1: {  	[dreg:$0x4] =	wrdreg s18  }
0xb2: {  	[dreg:$0x5] =	wrdreg $0x9  }
0xb3: {  	_ =	task.clear_ibuf [dreg:s8], $0x6FFFF;
	_ =	strace $0x90000046  }
0xb4: {  	s29 =	simm.s32 $0x9;
	_ =	strace $0x80000048  }
0xb5: {  	_ =	swait.ge [sflag:s29], $0x1  }
0xb6: {  	[sflag:s29] =	ssyncadd.s32 $0xFFFFFFFF  }
0xb7: {  	_ =	strace $0x90000048  }
0xb8: {  	_ =	sfence  }
0xb9: {  	s30 =	sld [smem:$0x0];
	_ =	sdelay $0x2  }
0xba: {  	s31 =	sshll.u32 s1, $0xD;
	s1 =	sshrl.u32 s1, $0x2  }
0xbb: {  	s3 =	sand.u32 $0x4000, s31;
	s1 =	sadd.s32 s1, s30  }
0xbc: {  	s0 =	sor.u32 s3, s0;
	s1 =	sshll.u32 s1, $0x11  }
0xbd: {  	s0 =	sor.u32 s1, s0  }
0xbe: {  	s0 =	sadd.s32 $0x8F2B, s0  }
0xbf: {  	[sflag:s0] =	ssyncadd.remote.s32 $0x1  }
0xc0: {  	_ =	sfence.sel $0xFFFF  }
0xc1: {  	[dreg:$0x0] =	wrdreg $0xFFFFFFFF;
	(pc) =	sbr.abs _section_cstart, $3  }
0xc2: {  	[dreg:$0x1] =	wrdreg $0xFFFFFFFF  }
0xc3: {  	_ =	task.clear_ibuf [dreg:s8], $0x2FFFF;
	_ =	strace $0x9FFFFFFF  }
0xc4: {  	(tm) =	ssettm $0x7FFFFFFF  }
0xc5: {  	_ =	shalt  }
tec
execute0_lowered:
.L_overlay_start_1:
0x0: {  	(tag) =	ssettag $0x1  }
0x1: {  	s11 =	rddreg [dreg:$0x0]  }
0x2: {  	s2 =	rddreg [dreg:$0x1]  }
0x3: {  	s1 =	srdreg.scid;
	s0 =	stileid.u32  }
0x4: {  	s3 =	rddreg [dreg:$0x2];
	s14 =	sand.u32 $0x1, s1;
	s5 =	sshll.u32 s0, $0x1  }
0x5: {  	s4 =	simm.s32 $0x0;
	s1 =	rddreg [dreg:$0x3];
	s12 =	sor.u32 s14, s5  }
0x6: {  	[smem:$0x7FF] =	sst s4;
	s13 =	sadd.s32 $0x1600, s11;
	s5 =	sshll.u32 s12, $0x5  }
0x7: {  	_ =	strace $0x80000047;
	s6 =	sadd.s32 s13, s5;
	s5 =	simm.s32 $0x2  }
0x8: {  	[tilespmem:s4], [sflag:$0x2] =	stream.linear.gather [hbm4b:s6+s4], $0x80, $0x38;
	[tilespmem:$0x10080] =	vst v63  }
0x9: {  	_ =	swait.ge [sflag:s5], $0x80  }
0xa: {  	s7 =	simm.s32 $0x4;
	[sflag:s5] =	ssyncset.done $0x0  }
0xb: {  	s8 =	simm.s32 $0x80;
	s9 =	simm.s32 $0x1;
	[sflag:s5] =	ssyncadd.s32 $0xFFFFFF80  }
0xc: {  	[tilespmem:s8], [sflag:$0x1] =	stream.indirect.gather [hbm4b:s2+s7], $0x4000, s4, s7, $0xb8;
	[tilespmem:$0x10080] =	vst v63  }
0xd: {  	_ =	swait.ge [sflag:s9], $0x10000  }
0xe: {  	s15 =	sadd.s32 $0x1A00, s11;
	s16 =	sshll.u32 s12, $0xE;
	[sflag:s9] =	ssyncset.done $0x0  }
0xf: {  	s10 =	sadd.s32 s15, s16;
	[sflag:s9] =	ssyncadd.s32 $0xFFFF0000  }
0x10: {  	[hbm4b:s10+s4] =	stream.linear.scatter [tilespmem:s8], [sflag:$0x2], $0x10000, $0x38;
	[tilespmem:$0x10080] =	vst v63  }
0x11: {  	_ =	swait.ge [sflag:s5], $0x10000  }
0x12: {  	[sflag:s5] =	ssyncset.done $0x0  }
0x13: {  	[sflag:s5] =	ssyncadd.s32 $0xFFFF0000  }
0x14: {  	[tilespmem:s8], [sflag:$0x1] =	stream.indirect.gather [hbm4b:s3+s7], $0x4000, s4, s7, $0xb8;
	[tilespmem:$0x10080] =	vst v63  }
0x15: {  	_ =	swait.ge [sflag:s9], $0x10000  }
0x16: {  	s17 =	sadd.s32 $0x81A00, s11;
	s18 =	sshll.u32 s0, $0x6;
	[sflag:s9] =	ssyncset.done $0x0  }
0x17: {  	s26 =	sshllo.u32 s12, $0x1;
	s11 =	sadd.s32 s17, s16;
	[sflag:s9] =	ssyncadd.s32 $0xFFFF0000  }
0x18: {  	[hbm4b:s11+s4] =	stream.linear.scatter [tilespmem:s8], [sflag:$0x2], $0x10000, $0x38;
	[tilespmem:$0x10080] =	vst v63  }
0x19: {  	s28 =	sand.u32 $0x380, s18;
	s29 =	sshll.u32 s26, $0x4;
	_ =	swait.ge [sflag:s5], $0x10000  }
0x1a: {  	s12 =	sadd.s32 s13, s28;
	s30 =	sand.u32 $0x70, s29;
	[sflag:s5] =	ssyncset.done $0x0  }
0x1b: {  	s12 =	sadd.s32 s30, s12;
	[sflag:s5] =	ssyncadd.s32 $0xFFFF0000  }
0x1c: {  	[tilespmem:s4], [sflag:$0x2] =	stream.linear.gather [hbm4b:s12+s4], $0x80, $0x38;
	[tilespmem:$0x10080] =	vst v63  }
0x1d: {  	_ =	swait.ge [sflag:s5], $0x80  }
0x1e: {  	[sflag:s5] =	ssyncset.done $0x0  }
0x1f: {  	[sflag:s5] =	ssyncadd.s32 $0xFFFFFF80  }
0x20: {  	[tilespmem:s8], [sflag:$0x1] =	stream.indirect.gather [hbm4b:s2+s7], $0x4000, s4, s7, $0xb8;
	[tilespmem:$0x10080] =	vst v63  }
0x21: {  	_ =	swait.ge [sflag:s9], $0x10000  }
0x22: {  	s16 =	sshll.u32 s26, $0xD;
	[sflag:s9] =	ssyncset.done $0x0  }
0x23: {  	s14 =	ssub.s32 $0x2, s14;
	s13 =	sadd.s32 s15, s16;
	[sflag:s9] =	ssyncadd.s32 $0xFFFF0000  }
0x24: {  	[hbm4b:s13+s4] =	stream.linear.scatter [tilespmem:s8], [sflag:$0x2], $0x10000, $0x38;
	[tilespmem:$0x10080] =	vst v63  }
0x25: {  	s31 =	sshrl.u32 s14, $0x1;
	_ =	swait.ge [sflag:s5], $0x10000  }
0x26: {  	s15 =	ssub.s32 s14, s31;
	[sflag:s5] =	ssyncset.done $0x0  }
0x27: {  	s15 =	smax.u32 s15, $0x1;
	[sflag:s5] =	ssyncadd.s32 $0xFFFF0000  }
0x28: {  	[tilespmem:s8], [sflag:$0x1] =	stream.indirect.gather [hbm4b:s3+s7], $0x4000, s4, s7, $0xb8;
	[tilespmem:$0x10080] =	vst v63  }
0x29: {  	p0 =	sne.s32 s15, $0x1;
	_ =	swait.ge [sflag:s9], $0x10000  }
.Ltmp0:
0x2a: {  	[sflag:s9] =	ssyncset.done $0x0;
	(pc) =	sbr.rel @!p0 .LBB2_2-.Ltmp0, $4  }
0x2b: {  	s14 =	sadd.s32 s17, s16;
	[sflag:s9] =	ssyncadd.s32 $0xFFFF0000  }
0x2c: {  	[hbm4b:s14+s4] =	stream.linear.scatter [tilespmem:s8], [sflag:$0x2], $0x10000, $0x38;
	[tilespmem:$0x10080] =	vst v63  }
0x2d: {  	_ =	swait.ge [sflag:s5], $0x10000  }
0x2e: {  	s15 =	sadd.s32 $0xFFFFFFFF, s15;
	[sflag:s5] =	ssyncset.done $0x0  }
.LBB2_1:
0x2f: {  	p0 =	sne.s32 s15, $0x1;
	s15 =	sadd.s32 $0xFFFFFFFF, s15;
	[sflag:s5] =	ssyncadd.s32 $0xFFFF0000  }
0x30: {  	[tilespmem:s4], [sflag:$0x2] =	stream.linear.gather [hbm4b:s6+s4], $0x80, $0x38;
	[tilespmem:$0x10080] =	vst v63  }
0x31: {  	_ =	swait.ge [sflag:s5], $0x80  }
0x32: {  	[sflag:s5] =	ssyncset.done $0x0  }
0x33: {  	[sflag:s5] =	ssyncadd.s32 $0xFFFFFF80  }
0x34: {  	[tilespmem:s8], [sflag:$0x1] =	stream.indirect.gather [hbm4b:s2+s7], $0x4000, s4, s7, $0xb8;
	[tilespmem:$0x10080] =	vst v63  }
0x35: {  	_ =	swait.ge [sflag:s9], $0x10000  }
0x36: {  	[sflag:s9] =	ssyncset.done $0x0  }
0x37: {  	[sflag:s9] =	ssyncadd.s32 $0xFFFF0000  }
0x38: {  	[hbm4b:s10+s4] =	stream.linear.scatter [tilespmem:s8], [sflag:$0x2], $0x10000, $0x38;
	[tilespmem:$0x10080] =	vst v63  }
0x39: {  	_ =	swait.ge [sflag:s5], $0x10000  }
0x3a: {  	[sflag:s5] =	ssyncset.done $0x0  }
0x3b: {  	[sflag:s5] =	ssyncadd.s32 $0xFFFF0000  }
0x3c: {  	[tilespmem:s8], [sflag:$0x1] =	stream.indirect.gather [hbm4b:s3+s7], $0x4000, s4, s7, $0xb8;
	[tilespmem:$0x10080] =	vst v63  }
0x3d: {  	_ =	swait.ge [sflag:s9], $0x10000  }
0x3e: {  	[sflag:s9] =	ssyncset.done $0x0  }
0x3f: {  	[sflag:s9] =	ssyncadd.s32 $0xFFFF0000  }
0x40: {  	[hbm4b:s11+s4] =	stream.linear.scatter [tilespmem:s8], [sflag:$0x2], $0x10000, $0x38;
	[tilespmem:$0x10080] =	vst v63  }
0x41: {  	_ =	swait.ge [sflag:s5], $0x10000  }
0x42: {  	[sflag:s5] =	ssyncset.done $0x0  }
0x43: {  	[sflag:s5] =	ssyncadd.s32 $0xFFFF0000  }
0x44: {  	[tilespmem:s4], [sflag:$0x2] =	stream.linear.gather [hbm4b:s12+s4], $0x80, $0x38;
	[tilespmem:$0x10080] =	vst v63  }
0x45: {  	_ =	swait.ge [sflag:s5], $0x80  }
0x46: {  	[sflag:s5] =	ssyncset.done $0x0  }
0x47: {  	[sflag:s5] =	ssyncadd.s32 $0xFFFFFF80  }
0x48: {  	[tilespmem:s8], [sflag:$0x1] =	stream.indirect.gather [hbm4b:s2+s7], $0x4000, s4, s7, $0xb8;
	[tilespmem:$0x10080] =	vst v63  }
0x49: {  	_ =	swait.ge [sflag:s9], $0x10000  }
0x4a: {  	[sflag:s9] =	ssyncset.done $0x0  }
0x4b: {  	[sflag:s9] =	ssyncadd.s32 $0xFFFF0000  }
0x4c: {  	[hbm4b:s13+s4] =	stream.linear.scatter [tilespmem:s8], [sflag:$0x2], $0x10000, $0x38;
	[tilespmem:$0x10080] =	vst v63  }
0x4d: {  	_ =	swait.ge [sflag:s5], $0x10000  }
0x4e: {  	[sflag:s5] =	ssyncset.done $0x0  }
0x4f: {  	[sflag:s5] =	ssyncadd.s32 $0xFFFF0000  }
0x50: {  	[tilespmem:s8], [sflag:$0x1] =	stream.indirect.gather [hbm4b:s3+s7], $0x4000, s4, s7, $0xb8;
	[tilespmem:$0x10080] =	vst v63  }
0x51: {  	_ =	swait.ge [sflag:s9], $0x10000  }
.Ltmp1:
0x52: {  	[sflag:s9] =	ssyncset.done $0x0;
	(pc) =	sbr.rel @p0 .LBB2_1-.Ltmp1, $4  }
0x53: {  	[sflag:s9] =	ssyncadd.s32 $0xFFFF0000  }
0x54: {  	[hbm4b:s14+s4] =	stream.linear.scatter [tilespmem:s8], [sflag:$0x2], $0x10000, $0x38;
	[tilespmem:$0x10080] =	vst v63  }
0x55: {  	_ =	swait.ge [sflag:s5], $0x10000  }
0x56: {  	[sflag:s5] =	ssyncset.done $0x0  }
.LBB2_2:
0x57: {  	[sflag:s5] =	ssyncadd.s32 $0xFFFF0000  }
0x58: {  	_ =	sfence.sel $0x180000  }
0x59: {  	[bflag:$0x0] =	sbarrier.arrive $0xFFFF  }
0x5a: {  	p0 =	sne.s32 s0, $0x0;
	_ =	strace $0x90000047  }
0x5b: {  	s0 =	sadd.s32 @!p0 $0x100000, s1;
	[bflag:$0x2] =	sbarrier.arrive $0xFFFF  }
0x5c: {  	[sflag:s0] =	ssyncadd.tile.s32 @!p0 $0x1;
	_ =	shalt  }
.Lfunc_end2:
_tile_overlayer_lowered:
.L_overlay_start_2:
0x5d: {  	(tag) =	ssettag $0x2  }
0x5e: {  	s0 =	rddreg [dreg:$0x0];
	s2 =	stileid.u32  }
0x5f: {  	s1 =	rddreg [dreg:$0x1];
	p0 =	sne.s32 s2, $0x0  }
0x60: {  	s3 =	rddreg [dreg:$0x2];
	[bflag:$0x3] =	sbarrier.arrive $0xFFFF;
	s2 =	simm.s32 @!p0 $0x1C02  }
0x61: {  	[timem:s3], [sflag:s2] =	dma.local @!p0 [hbm:s0], s1  }
0x62: {  	s0 =	simm.s32 @!p0 $0x2  }
0x63: {  	_ =	swait.ge @!p0 [sflag:s0], s1  }
0x64: {  	s1 =	ssub.s32 @!p0 $0x0, s1;
	[sflag:s0] =	ssyncset.done @!p0 $0x0  }
0x65: {  	[sflag:s0] =	ssyncadd.s32 @!p0 s1  }
0x66: {  	[bflag:$0x3] =	sbarrier.arrive $0xFFFF  }
0x67: {  	_ =	shalt  }

</sc_bundles>
